<compile_context>
chip_gen: v7x
topology: tpu7x:2x2x1
jax: 0.10.2.dev20260603
libtpu: 0.0.44.dev20260713+nightly
codegen_flags: <defaults>
</compile_context>

<pallas_src>
import functools

import jax
import jax.numpy as jnp
from jax import lax
from jax.experimental import pallas as pl
from jax.experimental.pallas import tpu as pltpu
from jax.experimental.pallas import tpu_sc as plsc

B = 8
N = 4096
Q = 1024
K = 32
P = B * Q * K
EPSV = 1e-5
BIG = 1e30



def _fps_body(xyzT_ref, far0_ref, new_ref):
    xp = xyzT_ref[0]
    yp = xyzT_ref[1]
    zp = xyzT_ref[2]
    col = lax.broadcasted_iota(jnp.int32, (B, N), 1)

    def body(i, carry):
        dmin, far = carry
        mask = col == far
        cx = jnp.sum(jnp.where(mask, xp, 0.0), axis=1, keepdims=True)
        cy = jnp.sum(jnp.where(mask, yp, 0.0), axis=1, keepdims=True)
        cz = jnp.sum(jnp.where(mask, zp, 0.0), axis=1, keepdims=True)
        new_ref[:, pl.ds(i, 1), :] = jnp.concatenate(
            [cx, cy, cz], axis=1)[:, None, :]
        dist = ((xp - cx) ** 2 + (zp - cz) ** 2) + (yp - cy) ** 2
        dmin = jnp.where(dist < dmin, dist, dmin)
        m = jnp.max(dmin, axis=1, keepdims=True)
        far = jnp.min(jnp.where(dmin == m, col, N), axis=1, keepdims=True)
        return dmin, far

    dmin0 = jnp.full((B, N), 1e10, dtype=jnp.float32)
    lax.fori_loop(0, Q, body, (dmin0, far0_ref[...]))


def _fps(xyzT, far0):
    return pl.pallas_call(
        _fps_body,
        out_shape=jax.ShapeDtypeStruct((B, Q, 3), jnp.float32),
    )(xyzT, far0)



def _knn_body(nc_ref, nr_ref, idx_ref, d_ref):
    rx = nr_ref[0].reshape(1, Q)
    ry = nr_ref[1].reshape(1, Q)
    rz = nr_ref[2].reshape(1, Q)
    RB = 128
    NB = Q // RB
    for rb in range(NB):
        cx = nc_ref[0, pl.ds(rb * RB, RB), 0:1]
        cy = nc_ref[0, pl.ds(rb * RB, RB), 1:2]
        cz = nc_ref[0, pl.ds(rb * RB, RB), 2:3]
        riota = lax.broadcasted_iota(jnp.int32, (RB, Q), 0) + rb * RB
        ciota = lax.broadcasted_iota(jnp.int32, (RB, Q), 1)
        d = ((cx - rx) ** 2 + (cz - rz) ** 2) + (cy - ry) ** 2
        d_ref[pl.ds(rb * RB, RB), :] = jnp.where(riota == ciota, BIG, d)

    def round_body(kk, _):
        def min_pass(rb, acc):
            db = d_ref[pl.ds(rb * RB, RB), :]
            return jnp.minimum(acc, jnp.min(db, axis=0, keepdims=True))

        m = lax.fori_loop(0, NB, min_pass,
                          jnp.full((1, Q), BIG, dtype=jnp.float32))

        def arg_mask_pass(rb, acc):
            db = d_ref[pl.ds(rb * RB, RB), :]
            ri = lax.broadcasted_iota(jnp.int32, (RB, Q), 0) + rb * RB
            hit = db == m
            d_ref[pl.ds(rb * RB, RB), :] = jnp.where(hit, BIG, db)
            cand = jnp.min(jnp.where(hit, ri, N), axis=0, keepdims=True)
            return jnp.minimum(acc, cand)

        im = lax.fori_loop(0, NB, arg_mask_pass,
                           jnp.full((1, Q), N, dtype=jnp.int32))
        idx_ref[0, pl.ds(kk, 1), :] = im
        return _

    lax.fori_loop(0, K, round_body, 0)


def _knn(new_xyz, newT):
    return pl.pallas_call(
        _knn_body,
        grid=(B,),
        in_specs=[
            pl.BlockSpec((1, Q, 3), lambda b: (b, 0, 0)),
            pl.BlockSpec((3, 1, 1, Q), lambda b: (0, b, 0, 0)),
        ],
        out_specs=pl.BlockSpec((1, K, Q), lambda b: (b, 0, 0)),
        out_shape=jax.ShapeDtypeStruct((B, K, Q), jnp.int32),
        scratch_shapes=[pltpu.VMEM((Q, Q), jnp.float32)],
    )(new_xyz, newT.reshape(3, B, 1, Q))



QC = 256
NCHUNK = Q // QC


def _sc_gather_body(xyzT_hbm, newT_hbm, idxT_hbm, out_hbm,
                    xv, yv, zv, nxv, nyv, nzv, idx_v, ox, oy, oz):
    wid = lax.axis_index("s") * 2 + lax.axis_index("c")
    b = wid // NCHUNK
    qlo = (wid % NCHUNK) * QC

    planes = (xv, yv, zv)
    nplanes = (nxv, nyv, nzv)
    oplanes = (ox, oy, oz)
    for c in range(3):
        pltpu.sync_copy(xyzT_hbm.at[c, b, :], planes[c])
        pltpu.sync_copy(newT_hbm.at[c, b, pl.ds(qlo, QC)], nplanes[c])
    pltpu.sync_copy(idxT_hbm.at[b, :, pl.ds(qlo, QC)], idx_v)

    def body(t, carry):
        k = t // (QC // 16)
        qv = t % (QC // 16)
        iv = idx_v[k, pl.ds(qv * 16, 16)]
        for c in range(3):
            g = plsc.load_gather(planes[c], [iv])
            nv = nplanes[c][pl.ds(qv * 16, 16)]
            oplanes[c][k, pl.ds(qv * 16, 16)] = g - nv
        return carry

    lax.fori_loop(0, K * (QC // 16), body, 0)

    for c in range(3):
        pltpu.sync_copy(oplanes[c], out_hbm.at[c, b, :, pl.ds(qlo, QC)])


def _sc_gather(xyzT, newT, idxT):
    mesh = plsc.VectorSubcoreMesh(core_axis_name="c", subcore_axis_name="s")
    f = pl.kernel(
        _sc_gather_body,
        out_type=jax.ShapeDtypeStruct((3, B, K, Q), jnp.float32),
        mesh=mesh,
        compiler_params=pltpu.CompilerParams(needs_layout_passes=False),
        scratch_types=[
            pltpu.VMEM((N,), jnp.float32),
            pltpu.VMEM((N,), jnp.float32),
            pltpu.VMEM((N,), jnp.float32),
            pltpu.VMEM((QC,), jnp.float32),
            pltpu.VMEM((QC,), jnp.float32),
            pltpu.VMEM((QC,), jnp.float32),
            pltpu.VMEM((K, QC), jnp.int32),
            pltpu.VMEM((K, QC), jnp.float32),
            pltpu.VMEM((K, QC), jnp.float32),
            pltpu.VMEM((K, QC), jnp.float32),
        ],
    )
    return f(xyzT, newT, idxT)



TL = 4096
G = P // TL


def _stats0_body(x_ref, s1_ref, s2_ref, s1a, s2a):
    pid = pl.program_id(0)

    @pl.when(pid == 0)
    def _():
        s1a[...] = jnp.zeros_like(s1a)
        s2a[...] = jnp.zeros_like(s2a)

    x = x_ref[...]
    s1a[...] += jnp.sum(x, axis=1, keepdims=True)
    s2a[...] += lax.dot_general(x, x, (((1,), (1,)), ((), ())),
                                preferred_element_type=jnp.float32)

    @pl.when(pid == G - 1)
    def _():
        s1_ref[...] = s1a[...]
        s2_ref[...] = s2a[...]


def _stats0(x):
    cin = x.shape[0]
    return pl.pallas_call(
        _stats0_body,
        grid=(G,),
        in_specs=[pl.BlockSpec((cin, TL), lambda i: (0, i))],
        out_specs=[
            pl.BlockSpec((cin, 1), lambda i: (0, 0)),
            pl.BlockSpec((cin, cin), lambda i: (0, 0)),
        ],
        out_shape=[
            jax.ShapeDtypeStruct((cin, 1), jnp.float32),
            jax.ShapeDtypeStruct((cin, cin), jnp.float32),
        ],
        scratch_shapes=[pltpu.VMEM((cin, 1), jnp.float32),
                        pltpu.VMEM((cin, cin), jnp.float32)],
    )(x)


def _layer_body(x_ref, w_ref, b_ref, z_ref, s1_ref, s2_ref, s1a, s2a):
    pid = pl.program_id(0)

    @pl.when(pid == 0)
    def _():
        s1a[...] = jnp.zeros_like(s1a)
        s2a[...] = jnp.zeros_like(s2a)

    x = x_ref[...]
    w = w_ref[...]
    z = jnp.maximum(
        lax.dot_general(w, x, (((1,), (0,)), ((), ())),
                        preferred_element_type=jnp.float32) + b_ref[...], 0.0)
    z_ref[...] = z
    s1a[...] += jnp.sum(z, axis=1, keepdims=True)
    s2a[...] += lax.dot_general(z, z, (((1,), (1,)), ((), ())),
                                preferred_element_type=jnp.float32)

    @pl.when(pid == G - 1)
    def _():
        s1_ref[...] = s1a[...]
        s2_ref[...] = s2a[...]


def _layer(x, wf, bf):
    cin = x.shape[0]
    cout = wf.shape[0]
    return pl.pallas_call(
        _layer_body,
        grid=(G,),
        in_specs=[
            pl.BlockSpec((cin, TL), lambda i: (0, i)),
            pl.BlockSpec((cout, cin), lambda i: (0, 0)),
            pl.BlockSpec((cout, 1), lambda i: (0, 0)),
        ],
        out_specs=[
            pl.BlockSpec((cout, TL), lambda i: (0, i)),
            pl.BlockSpec((cout, 1), lambda i: (0, 0)),
            pl.BlockSpec((cout, cout), lambda i: (0, 0)),
        ],
        out_shape=[
            jax.ShapeDtypeStruct((cout, P), jnp.float32),
            jax.ShapeDtypeStruct((cout, 1), jnp.float32),
            jax.ShapeDtypeStruct((cout, cout), jnp.float32),
        ],
        scratch_shapes=[pltpu.VMEM((cout, 1), jnp.float32),
                        pltpu.VMEM((cout, cout), jnp.float32)],
    )(x, wf, bf)


def _l2max_body(z_ref, w_ref, b_ref, o_ref):
    w = w_ref[...]
    bb = b_ref[...]
    m = jnp.full((w.shape[0], z_ref.shape[3]), -BIG, dtype=jnp.float32)
    for k in range(K):
        zk = z_ref[:, 0, k, :]
        y = jnp.maximum(
            lax.dot_general(w, zk, (((1,), (0,)), ((), ())),
                            preferred_element_type=jnp.float32) + bb, 0.0)
        m = jnp.maximum(m, y)
    o_ref[0] = m


def _l2max(z4, wf, bf):
    cin = z4.shape[0]
    cout = wf.shape[0]
    QT = 256
    return pl.pallas_call(
        _l2max_body,
        grid=(B, Q // QT),
        in_specs=[
            pl.BlockSpec((cin, 1, K, QT), lambda b, q: (0, b, 0, q)),
            pl.BlockSpec((cout, cin), lambda b, q: (0, 0)),
            pl.BlockSpec((cout, 1), lambda b, q: (0, 0)),
        ],
        out_specs=pl.BlockSpec((1, cout, QT), lambda b, q: (b, 0, q)),
        out_shape=jax.ShapeDtypeStruct((B, cout, Q), jnp.float32),
    )(z4, wf, bf)


def _fold(w, bias, gamma, beta, s1, s2):
    m = s1[:, 0] / P
    sig = s2 / P - jnp.outer(m, m)
    mean_y = w @ m + bias
    var_y = jnp.einsum('oi,ij,oj->o', w, sig, w)
    inv = gamma / jnp.sqrt(var_y + EPSV)
    return w * inv[:, None], (inv * (bias - mean_y) + beta)[:, None]



def kernel(xyz, W0, b0, g0, be0, W1, b1, g1, be1, W2, b2, g2, be2):
    far0 = jax.random.randint(jax.random.key(1), (B,), 0, N)
    far0 = far0.astype(jnp.int32)[:, None]
    xyzT = jnp.transpose(xyz, (2, 0, 1))
    new_xyz = _fps(xyzT, far0)
    newT = jnp.transpose(new_xyz, (2, 0, 1))
    idxT = _knn(new_xyz, newT)
    x0 = _sc_gather(xyzT, newT, idxT)
    x0f = x0.reshape(3, P)
    s1, s2 = _stats0(x0f)
    wf, bf = _fold(W0, b0, g0, be0, s1, s2)
    z1, s1, s2 = _layer(x0f, wf, bf)
    wf, bf = _fold(W1, b1, g1, be1, s1, s2)
    z2, s1, s2 = _layer(z1, wf, bf)
    wf, bf = _fold(W2, b2, g2, be2, s1, s2)
    new_points = _l2max(z2.reshape(64, B, K, Q), wf, bf)
    return new_xyz, new_points

# --- scband reference (transcript-rebuilt; emitter-appended) ---
"""Pipeline reference for scband-point-net-set-abstraction-77661598646511 (READ-ONLY COPY).

The authoritative reference and input builder live on the scoring server;
editing this copy changes nothing except your own understanding.
"""

import jax, jax.numpy as jnp
import numpy as np

NPOINT = 1024
K = 32
MLP = [64, 64, 128]
EPS = 1e-5


def index_points(points, idx):
    # points: [B, N, C]; idx: [B, ...] int -> [B, ..., C]
    return jax.vmap(lambda p, i: p[i])(points, idx)


def square_distance(src, dst):
    return jnp.sum((src[:, :, None, :] - dst[:, None, :, :]) ** 2, axis=-1)


def farthest_point_sample(xyz, npoint):
    B, N, C = xyz.shape
    distance = jnp.full((B, N), 1e10, dtype=xyz.dtype)
    farthest = jax.random.randint(jax.random.key(1), (B,), 0, N)
    centroids = jnp.zeros((B, npoint), dtype=farthest.dtype)
    batch_idx = jnp.arange(B)

    def body(i, carry):
        centroids, distance, farthest = carry
        centroids = centroids.at[:, i].set(farthest)
        centroid = xyz[batch_idx, farthest][:, None, :]
        dist = jnp.sum((xyz - centroid) ** 2, axis=-1)
        distance = jnp.where(dist < distance, dist, distance)
        farthest = jnp.argmax(distance, axis=-1).astype(farthest.dtype)
        return (centroids, distance, farthest)

    centroids, _, _ = jax.lax.fori_loop(0, npoint, body, (centroids, distance, farthest))
    return centroids


def knn_idx(x, k):
    dist = square_distance(x, x)
    idx = jnp.argsort(dist, axis=-1)[:, :, 1:k + 1]
    return idx


def conv_bn_relu(x, W, b, gamma, beta):
    # 1x1 Conv2d + BatchNorm2d (training-mode batch stats) + ReLU
    y = jnp.einsum('oi,bihw->bohw', W, x) + b[None, :, None, None]
    mean = y.mean(axis=(0, 2, 3), keepdims=True)
    var = y.var(axis=(0, 2, 3), keepdims=True)
    y = (y - mean) / jnp.sqrt(var + EPS)
    y = gamma[None, :, None, None] * y + beta[None, :, None, None]
    return jax.nn.relu(y)


def setup_inputs(seed: int = 0) -> dict:
    key = jax.random.key(seed)
    ks = jax.random.split(key, 8)
    inp = {"xyz": jax.random.normal(ks[0], (8, 4096, 3), dtype=jnp.float32)}
    last = 3
    for li, out in enumerate(MLP):
        kw = jax.random.fold_in(ks[1], li)
        inp[f"W{li}"] = jax.random.normal(kw, (out, last), dtype=jnp.float32) / np.sqrt(last)
        inp[f"b{li}"] = jnp.zeros((out,), dtype=jnp.float32)
        inp[f"g{li}"] = jnp.ones((out,), dtype=jnp.float32)
        inp[f"be{li}"] = jnp.zeros((out,), dtype=jnp.float32)
        last = out
    return inp


def reference(xyz, W0, b0, g0, be0, W1, b1, g1, be1, W2, b2, g2, be2):
    fps_idx = farthest_point_sample(xyz, NPOINT)
    new_xyz = index_points(xyz, fps_idx)                  # [B, npoint, 3]
    idx = knn_idx(new_xyz, K)                             # [B, npoint, K] (indices into xyz, as in original)
    grouped_xyz = index_points(xyz, idx)                  # [B, npoint, K, 3]
    grouped_xyz = grouped_xyz - new_xyz[:, :, None, :]
    grouped_xyz = jnp.transpose(grouped_xyz, (0, 3, 1, 2))  # [B, 3, npoint, K]
    h = conv_bn_relu(grouped_xyz, W0, b0, g0, be0)
    h = conv_bn_relu(h, W1, b1, g1, be1)
    h = conv_bn_relu(h, W2, b2, g2, be2)
    new_points = jnp.max(h, axis=-1)                      # [B, 128, npoint]
    return (new_xyz, new_points)

if __name__ == "__main__":
    import jax
    _d = setup_inputs()
    print(jax.jit(kernel)(*tuple(_d.values())))

</pallas_src>

<mosaic_0001>
#map = affine_map<(d0, d1) -> (0, 0, 0)>
#map1 = affine_map<(d0, d1) -> (0, 0, 0, 0)>
module attributes {stable_mosaic.version = 14 : i64} {
  func.func @_sc_gather_body(%arg0: i32, %arg1: i32, %arg2: memref<3x8x4096xf32, #tpu.memory_space<hbm>>, %arg3: memref<3x8x1024xf32, #tpu.memory_space<hbm>>, %arg4: memref<8x32x1024xi32, #tpu.memory_space<hbm>>, %arg5: memref<3x8x32x1024xf32, #tpu.memory_space<hbm>>, %arg6: memref<4096xf32, #tpu.memory_space<vmem>>, %arg7: memref<4096xf32, #tpu.memory_space<vmem>>, %arg8: memref<4096xf32, #tpu.memory_space<vmem>>, %arg9: memref<256xf32, #tpu.memory_space<vmem>>, %arg10: memref<256xf32, #tpu.memory_space<vmem>>, %arg11: memref<256xf32, #tpu.memory_space<vmem>>, %arg12: memref<32x256xi32, #tpu.memory_space<vmem>>, %arg13: memref<32x256xf32, #tpu.memory_space<vmem>>, %arg14: memref<32x256xf32, #tpu.memory_space<vmem>>, %arg15: memref<32x256xf32, #tpu.memory_space<vmem>>) attributes {dimension_semantics = [#tpu.dimension_semantics<core_parallel>, #tpu.dimension_semantics<subcore_parallel>], iteration_bounds = array<i64: 2, 16>, scalar_prefetch = 0 : i64, scratch_operands = 10 : i64, tpu.core_type = #tpu.core_type<sc_vector_subcore>, window_params = [{transform_indices = #map}, {transform_indices = #map}, {transform_indices = #map}, {transform_indices = #map1}]} {
    %mul3A = arith.constant 2 : i32
    %mul3A_0 = arith.muli %arg1, %mul3A : i32
    %add3A = arith.addi %mul3A_0, %arg0 : i32
    %jit3A = arith.constant 4 : i32
    %div3A = arith.divsi %add3A, %jit3A : i32
    %sign3A = arith.constant 0 : i32
    %sign3A_1 = arith.cmpi sgt, %add3A, %sign3A : i32
    %sign3A_2 = arith.extui %sign3A_1 : i1 to i32
    %sign3A_3 = arith.constant 0 : i32
    %sign3A_4 = arith.cmpi slt, %add3A, %sign3A_3 : i32
    %sign3A_5 = arith.extui %sign3A_4 : i1 to i32
    %sign3A_6 = arith.subi %sign3A_2, %sign3A_5 : i32
    %sign3A_7 = arith.constant 0 : i32
    %sign3A_8 = arith.cmpi sgt, %jit3A, %sign3A_7 : i32
    %sign3A_9 = arith.extui %sign3A_8 : i1 to i32
    %sign3A_10 = arith.constant 0 : i32
    %sign3A_11 = arith.cmpi slt, %jit3A, %sign3A_10 : i32
    %sign3A_12 = arith.extui %sign3A_11 : i1 to i32
    %sign3A_13 = arith.subi %sign3A_9, %sign3A_12 : i32
    %ne3A = arith.cmpi ne, %sign3A_6, %sign3A_13 : i32
    %rem3A = arith.remsi %add3A, %jit3A : i32
    %ne3A_14 = arith.constant 0 : i32
    %ne3A_15 = arith.cmpi ne, %rem3A, %ne3A_14 : i32
    %and3A = arith.andi %ne3A, %ne3A_15 : i1
    %sub3A = arith.constant 1 : i32
    %sub3A_16 = arith.subi %div3A, %sub3A : i32
    %select_n3A = arith.select %and3A, %sub3A_16, %div3A : i32
    %jit3A_17 = arith.constant 4 : i32
    %eq3A = arith.constant 0 : i32
    %eq3A_18 = arith.cmpi eq, %jit3A_17, %eq3A : i32
    %jit3A_19 = arith.constant 1 : i32
    %select_n3A_20 = arith.select %eq3A_18, %jit3A_19, %jit3A_17 : i32
    %rem3A_21 = arith.remsi %add3A, %select_n3A_20 : i32
    %ne3A_22 = arith.constant 0 : i32
    %ne3A_23 = arith.cmpi ne, %rem3A_21, %ne3A_22 : i32
    %lt3A = arith.constant 0 : i32
    %lt3A_24 = arith.cmpi slt, %rem3A_21, %lt3A : i32
    %lt3A_25 = arith.constant 0 : i32
    %lt3A_26 = arith.cmpi slt, %select_n3A_20, %lt3A_25 : i32
    %ne3A_27 = arith.xori %lt3A_24, %lt3A_26 : i1
    %and3A_28 = arith.andi %ne3A_27, %ne3A_23 : i1
    %add3A_29 = arith.addi %rem3A_21, %select_n3A_20 : i32
    %select_n3A_30 = arith.select %and3A_28, %add3A_29, %rem3A_21 : i32
    %mul3A_31 = arith.constant 256 : i32
    %mul3A_32 = arith.muli %select_n3A_30, %mul3A_31 : i32
    %run_scoped3A = arith.constant 0 : i32
    "tpu.region"() ({
      %run_scoped3A_46 = tpu.sem_alloc : memref<!tpu.dma_semaphore, #tpu.memory_space<semaphore_mem>>
      %dma_start3A = arith.constant 0 : i32
      %dma_start3A_47 = tpu.memref_slice %arg2[%run_scoped3A, %select_n3A, %dma_start3A] : memref<3x8x4096xf32, #tpu.memory_space<hbm>> -> memref<1x1x4096xf32, #tpu.memory_space<hbm>>
      %dma_start3A_48 = tpu.memref_squeeze %dma_start3A_47 : memref<1x1x4096xf32, #tpu.memory_space<hbm>> -> memref<4096xf32, #tpu.memory_space<hbm>>
      %dma_start3A_49 = arith.constant 0 : i32
      %dma_start3A_50 = tpu.memref_slice %arg2[%run_scoped3A, %select_n3A, %dma_start3A_49] : memref<3x8x4096xf32, #tpu.memory_space<hbm>> -> memref<1x1x4096xf32, #tpu.memory_space<hbm>>
      %dma_start3A_51 = tpu.memref_squeeze %dma_start3A_50 : memref<1x1x4096xf32, #tpu.memory_space<hbm>> -> memref<4096xf32, #tpu.memory_space<hbm>>
      tpu.enqueue_dma source(%dma_start3A_51 : memref<4096xf32, #tpu.memory_space<hbm>>) target(%arg6 : memref<4096xf32, #tpu.memory_space<vmem>>) target_semaphore(%run_scoped3A_46 : memref<!tpu.dma_semaphore, #tpu.memory_space<semaphore_mem>>)
      %dma_wait3A = arith.constant 0 : i32
      %dma_wait3A_52 = tpu.memref_slice %arg2[%run_scoped3A, %select_n3A, %dma_wait3A] : memref<3x8x4096xf32, #tpu.memory_space<hbm>> -> memref<1x1x4096xf32, #tpu.memory_space<hbm>>
      %dma_wait3A_53 = tpu.memref_squeeze %dma_wait3A_52 : memref<1x1x4096xf32, #tpu.memory_space<hbm>> -> memref<4096xf32, #tpu.memory_space<hbm>>
      %dma_wait3A_54 = arith.constant 0 : i32
      %dma_wait3A_55 = tpu.memref_slice %arg2[%run_scoped3A, %select_n3A, %dma_wait3A_54] : memref<3x8x4096xf32, #tpu.memory_space<hbm>> -> memref<1x1x4096xf32, #tpu.memory_space<hbm>>
      %dma_wait3A_56 = tpu.memref_squeeze %dma_wait3A_55 : memref<1x1x4096xf32, #tpu.memory_space<hbm>> -> memref<4096xf32, #tpu.memory_space<hbm>>
      tpu.wait_dma2 semaphore(%run_scoped3A_46 : memref<!tpu.dma_semaphore, #tpu.memory_space<semaphore_mem>>) src(%dma_wait3A_56 : memref<4096xf32, #tpu.memory_space<hbm>>) dst(%arg6 : memref<4096xf32, #tpu.memory_space<vmem>>)
      tpu.yield
    }) : () -> ()
    %run_scoped3A_33 = arith.constant 0 : i32
    "tpu.region"() ({
      %run_scoped3A_46 = tpu.sem_alloc : memref<!tpu.dma_semaphore, #tpu.memory_space<semaphore_mem>>
      %dma_start3A = tpu.memref_slice %arg3[%run_scoped3A_33, %select_n3A, %mul3A_32] : memref<3x8x1024xf32, #tpu.memory_space<hbm>> -> memref<1x1x256xf32, #tpu.memory_space<hbm>>
      %dma_start3A_47 = tpu.memref_squeeze %dma_start3A : memref<1x1x256xf32, #tpu.memory_space<hbm>> -> memref<256xf32, #tpu.memory_space<hbm>>
      %dma_start3A_48 = tpu.memref_slice %arg3[%run_scoped3A_33, %select_n3A, %mul3A_32] : memref<3x8x1024xf32, #tpu.memory_space<hbm>> -> memref<1x1x256xf32, #tpu.memory_space<hbm>>
      %dma_start3A_49 = tpu.memref_squeeze %dma_start3A_48 : memref<1x1x256xf32, #tpu.memory_space<hbm>> -> memref<256xf32, #tpu.memory_space<hbm>>
      tpu.enqueue_dma source(%dma_start3A_49 : memref<256xf32, #tpu.memory_space<hbm>>) target(%arg9 : memref<256xf32, #tpu.memory_space<vmem>>) target_semaphore(%run_scoped3A_46 : memref<!tpu.dma_semaphore, #tpu.memory_space<semaphore_mem>>)
      %dma_wait3A = tpu.memref_slice %arg3[%run_scoped3A_33, %select_n3A, %mul3A_32] : memref<3x8x1024xf32, #tpu.memory_space<hbm>> -> memref<1x1x256xf32, #tpu.memory_space<hbm>>
      %dma_wait3A_50 = tpu.memref_squeeze %dma_wait3A : memref<1x1x256xf32, #tpu.memory_space<hbm>> -> memref<256xf32, #tpu.memory_space<hbm>>
      %dma_wait3A_51 = tpu.memref_slice %arg3[%run_scoped3A_33, %select_n3A, %mul3A_32] : memref<3x8x1024xf32, #tpu.memory_space<hbm>> -> memref<1x1x256xf32, #tpu.memory_space<hbm>>
      %dma_wait3A_52 = tpu.memref_squeeze %dma_wait3A_51 : memref<1x1x256xf32, #tpu.memory_space<hbm>> -> memref<256xf32, #tpu.memory_space<hbm>>
      tpu.wait_dma2 semaphore(%run_scoped3A_46 : memref<!tpu.dma_semaphore, #tpu.memory_space<semaphore_mem>>) src(%dma_wait3A_52 : memref<256xf32, #tpu.memory_space<hbm>>) dst(%arg9 : memref<256xf32, #tpu.memory_space<vmem>>)
      tpu.yield
    }) : () -> ()
    %run_scoped3A_34 = arith.constant 1 : i32
    "tpu.region"() ({
      %run_scoped3A_46 = tpu.sem_alloc : memref<!tpu.dma_semaphore, #tpu.memory_space<semaphore_mem>>
      %dma_start3A = arith.constant 0 : i32
      %dma_start3A_47 = tpu.memref_slice %arg2[%run_scoped3A_34, %select_n3A, %dma_start3A] : memref<3x8x4096xf32, #tpu.memory_space<hbm>> -> memref<1x1x4096xf32, #tpu.memory_space<hbm>>
      %dma_start3A_48 = tpu.memref_squeeze %dma_start3A_47 : memref<1x1x4096xf32, #tpu.memory_space<hbm>> -> memref<4096xf32, #tpu.memory_space<hbm>>
      %dma_start3A_49 = arith.constant 0 : i32
      %dma_start3A_50 = tpu.memref_slice %arg2[%run_scoped3A_34, %select_n3A, %dma_start3A_49] : memref<3x8x4096xf32, #tpu.memory_space<hbm>> -> memref<1x1x4096xf32, #tpu.memory_space<hbm>>
      %dma_start3A_51 = tpu.memref_squeeze %dma_start3A_50 : memref<1x1x4096xf32, #tpu.memory_space<hbm>> -> memref<4096xf32, #tpu.memory_space<hbm>>
      tpu.enqueue_dma source(%dma_start3A_51 : memref<4096xf32, #tpu.memory_space<hbm>>) target(%arg7 : memref<4096xf32, #tpu.memory_space<vmem>>) target_semaphore(%run_scoped3A_46 : memref<!tpu.dma_semaphore, #tpu.memory_space<semaphore_mem>>)
      %dma_wait3A = arith.constant 0 : i32
      %dma_wait3A_52 = tpu.memref_slice %arg2[%run_scoped3A_34, %select_n3A, %dma_wait3A] : memref<3x8x4096xf32, #tpu.memory_space<hbm>> -> memref<1x1x4096xf32, #tpu.memory_space<hbm>>
      %dma_wait3A_53 = tpu.memref_squeeze %dma_wait3A_52 : memref<1x1x4096xf32, #tpu.memory_space<hbm>> -> memref<4096xf32, #tpu.memory_space<hbm>>
      %dma_wait3A_54 = arith.constant 0 : i32
      %dma_wait3A_55 = tpu.memref_slice %arg2[%run_scoped3A_34, %select_n3A, %dma_wait3A_54] : memref<3x8x4096xf32, #tpu.memory_space<hbm>> -> memref<1x1x4096xf32, #tpu.memory_space<hbm>>
      %dma_wait3A_56 = tpu.memref_squeeze %dma_wait3A_55 : memref<1x1x4096xf32, #tpu.memory_space<hbm>> -> memref<4096xf32, #tpu.memory_space<hbm>>
      tpu.wait_dma2 semaphore(%run_scoped3A_46 : memref<!tpu.dma_semaphore, #tpu.memory_space<semaphore_mem>>) src(%dma_wait3A_56 : memref<4096xf32, #tpu.memory_space<hbm>>) dst(%arg7 : memref<4096xf32, #tpu.memory_space<vmem>>)
      tpu.yield
    }) : () -> ()
    %run_scoped3A_35 = arith.constant 1 : i32
    "tpu.region"() ({
      %run_scoped3A_46 = tpu.sem_alloc : memref<!tpu.dma_semaphore, #tpu.memory_space<semaphore_mem>>
      %dma_start3A = tpu.memref_slice %arg3[%run_scoped3A_35, %select_n3A, %mul3A_32] : memref<3x8x1024xf32, #tpu.memory_space<hbm>> -> memref<1x1x256xf32, #tpu.memory_space<hbm>>
      %dma_start3A_47 = tpu.memref_squeeze %dma_start3A : memref<1x1x256xf32, #tpu.memory_space<hbm>> -> memref<256xf32, #tpu.memory_space<hbm>>
      %dma_start3A_48 = tpu.memref_slice %arg3[%run_scoped3A_35, %select_n3A, %mul3A_32] : memref<3x8x1024xf32, #tpu.memory_space<hbm>> -> memref<1x1x256xf32, #tpu.memory_space<hbm>>
      %dma_start3A_49 = tpu.memref_squeeze %dma_start3A_48 : memref<1x1x256xf32, #tpu.memory_space<hbm>> -> memref<256xf32, #tpu.memory_space<hbm>>
      tpu.enqueue_dma source(%dma_start3A_49 : memref<256xf32, #tpu.memory_space<hbm>>) target(%arg10 : memref<256xf32, #tpu.memory_space<vmem>>) target_semaphore(%run_scoped3A_46 : memref<!tpu.dma_semaphore, #tpu.memory_space<semaphore_mem>>)
      %dma_wait3A = tpu.memref_slice %arg3[%run_scoped3A_35, %select_n3A, %mul3A_32] : memref<3x8x1024xf32, #tpu.memory_space<hbm>> -> memref<1x1x256xf32, #tpu.memory_space<hbm>>
      %dma_wait3A_50 = tpu.memref_squeeze %dma_wait3A : memref<1x1x256xf32, #tpu.memory_space<hbm>> -> memref<256xf32, #tpu.memory_space<hbm>>
      %dma_wait3A_51 = tpu.memref_slice %arg3[%run_scoped3A_35, %select_n3A, %mul3A_32] : memref<3x8x1024xf32, #tpu.memory_space<hbm>> -> memref<1x1x256xf32, #tpu.memory_space<hbm>>
      %dma_wait3A_52 = tpu.memref_squeeze %dma_wait3A_51 : memref<1x1x256xf32, #tpu.memory_space<hbm>> -> memref<256xf32, #tpu.memory_space<hbm>>
      tpu.wait_dma2 semaphore(%run_scoped3A_46 : memref<!tpu.dma_semaphore, #tpu.memory_space<semaphore_mem>>) src(%dma_wait3A_52 : memref<256xf32, #tpu.memory_space<hbm>>) dst(%arg10 : memref<256xf32, #tpu.memory_space<vmem>>)
      tpu.yield
    }) : () -> ()
    %run_scoped3A_36 = arith.constant 2 : i32
    "tpu.region"() ({
      %run_scoped3A_46 = tpu.sem_alloc : memref<!tpu.dma_semaphore, #tpu.memory_space<semaphore_mem>>
      %dma_start3A = arith.constant 0 : i32
      %dma_start3A_47 = tpu.memref_slice %arg2[%run_scoped3A_36, %select_n3A, %dma_start3A] : memref<3x8x4096xf32, #tpu.memory_space<hbm>> -> memref<1x1x4096xf32, #tpu.memory_space<hbm>>
      %dma_start3A_48 = tpu.memref_squeeze %dma_start3A_47 : memref<1x1x4096xf32, #tpu.memory_space<hbm>> -> memref<4096xf32, #tpu.memory_space<hbm>>
      %dma_start3A_49 = arith.constant 0 : i32
      %dma_start3A_50 = tpu.memref_slice %arg2[%run_scoped3A_36, %select_n3A, %dma_start3A_49] : memref<3x8x4096xf32, #tpu.memory_space<hbm>> -> memref<1x1x4096xf32, #tpu.memory_space<hbm>>
      %dma_start3A_51 = tpu.memref_squeeze %dma_start3A_50 : memref<1x1x4096xf32, #tpu.memory_space<hbm>> -> memref<4096xf32, #tpu.memory_space<hbm>>
      tpu.enqueue_dma source(%dma_start3A_51 : memref<4096xf32, #tpu.memory_space<hbm>>) target(%arg8 : memref<4096xf32, #tpu.memory_space<vmem>>) target_semaphore(%run_scoped3A_46 : memref<!tpu.dma_semaphore, #tpu.memory_space<semaphore_mem>>)
      %dma_wait3A = arith.constant 0 : i32
      %dma_wait3A_52 = tpu.memref_slice %arg2[%run_scoped3A_36, %select_n3A, %dma_wait3A] : memref<3x8x4096xf32, #tpu.memory_space<hbm>> -> memref<1x1x4096xf32, #tpu.memory_space<hbm>>
      %dma_wait3A_53 = tpu.memref_squeeze %dma_wait3A_52 : memref<1x1x4096xf32, #tpu.memory_space<hbm>> -> memref<4096xf32, #tpu.memory_space<hbm>>
      %dma_wait3A_54 = arith.constant 0 : i32
      %dma_wait3A_55 = tpu.memref_slice %arg2[%run_scoped3A_36, %select_n3A, %dma_wait3A_54] : memref<3x8x4096xf32, #tpu.memory_space<hbm>> -> memref<1x1x4096xf32, #tpu.memory_space<hbm>>
      %dma_wait3A_56 = tpu.memref_squeeze %dma_wait3A_55 : memref<1x1x4096xf32, #tpu.memory_space<hbm>> -> memref<4096xf32, #tpu.memory_space<hbm>>
      tpu.wait_dma2 semaphore(%run_scoped3A_46 : memref<!tpu.dma_semaphore, #tpu.memory_space<semaphore_mem>>) src(%dma_wait3A_56 : memref<4096xf32, #tpu.memory_space<hbm>>) dst(%arg8 : memref<4096xf32, #tpu.memory_space<vmem>>)
      tpu.yield
    }) : () -> ()
    %run_scoped3A_37 = arith.constant 2 : i32
    "tpu.region"() ({
      %run_scoped3A_46 = tpu.sem_alloc : memref<!tpu.dma_semaphore, #tpu.memory_space<semaphore_mem>>
      %dma_start3A = tpu.memref_slice %arg3[%run_scoped3A_37, %select_n3A, %mul3A_32] : memref<3x8x1024xf32, #tpu.memory_space<hbm>> -> memref<1x1x256xf32, #tpu.memory_space<hbm>>
      %dma_start3A_47 = tpu.memref_squeeze %dma_start3A : memref<1x1x256xf32, #tpu.memory_space<hbm>> -> memref<256xf32, #tpu.memory_space<hbm>>
      %dma_start3A_48 = tpu.memref_slice %arg3[%run_scoped3A_37, %select_n3A, %mul3A_32] : memref<3x8x1024xf32, #tpu.memory_space<hbm>> -> memref<1x1x256xf32, #tpu.memory_space<hbm>>
      %dma_start3A_49 = tpu.memref_squeeze %dma_start3A_48 : memref<1x1x256xf32, #tpu.memory_space<hbm>> -> memref<256xf32, #tpu.memory_space<hbm>>
      tpu.enqueue_dma source(%dma_start3A_49 : memref<256xf32, #tpu.memory_space<hbm>>) target(%arg11 : memref<256xf32, #tpu.memory_space<vmem>>) target_semaphore(%run_scoped3A_46 : memref<!tpu.dma_semaphore, #tpu.memory_space<semaphore_mem>>)
      %dma_wait3A = tpu.memref_slice %arg3[%run_scoped3A_37, %select_n3A, %mul3A_32] : memref<3x8x1024xf32, #tpu.memory_space<hbm>> -> memref<1x1x256xf32, #tpu.memory_space<hbm>>
      %dma_wait3A_50 = tpu.memref_squeeze %dma_wait3A : memref<1x1x256xf32, #tpu.memory_space<hbm>> -> memref<256xf32, #tpu.memory_space<hbm>>
      %dma_wait3A_51 = tpu.memref_slice %arg3[%run_scoped3A_37, %select_n3A, %mul3A_32] : memref<3x8x1024xf32, #tpu.memory_space<hbm>> -> memref<1x1x256xf32, #tpu.memory_space<hbm>>
      %dma_wait3A_52 = tpu.memref_squeeze %dma_wait3A_51 : memref<1x1x256xf32, #tpu.memory_space<hbm>> -> memref<256xf32, #tpu.memory_space<hbm>>
      tpu.wait_dma2 semaphore(%run_scoped3A_46 : memref<!tpu.dma_semaphore, #tpu.memory_space<semaphore_mem>>) src(%dma_wait3A_52 : memref<256xf32, #tpu.memory_space<hbm>>) dst(%arg11 : memref<256xf32, #tpu.memory_space<vmem>>)
      tpu.yield
    }) : () -> ()
    "tpu.region"() ({
      %run_scoped3A_46 = tpu.sem_alloc : memref<!tpu.dma_semaphore, #tpu.memory_space<semaphore_mem>>
      %dma_start3A = arith.constant 0 : i32
      %dma_start3A_47 = tpu.memref_slice %arg4[%select_n3A, %dma_start3A, %mul3A_32] : memref<8x32x1024xi32, #tpu.memory_space<hbm>> -> memref<1x32x256xi32, #tpu.memory_space<hbm>>
      %dma_start3A_48 = tpu.memref_squeeze %dma_start3A_47 : memref<1x32x256xi32, #tpu.memory_space<hbm>> -> memref<32x256xi32, #tpu.memory_space<hbm>>
      %dma_start3A_49 = arith.constant 0 : i32
      %dma_start3A_50 = tpu.memref_slice %arg4[%select_n3A, %dma_start3A_49, %mul3A_32] : memref<8x32x1024xi32, #tpu.memory_space<hbm>> -> memref<1x32x256xi32, #tpu.memory_space<hbm>>
      %dma_start3A_51 = tpu.memref_squeeze %dma_start3A_50 : memref<1x32x256xi32, #tpu.memory_space<hbm>> -> memref<32x256xi32, #tpu.memory_space<hbm>>
      tpu.enqueue_dma source(%dma_start3A_51 : memref<32x256xi32, #tpu.memory_space<hbm>>) target(%arg12 : memref<32x256xi32, #tpu.memory_space<vmem>>) target_semaphore(%run_scoped3A_46 : memref<!tpu.dma_semaphore, #tpu.memory_space<semaphore_mem>>)
      %dma_wait3A = arith.constant 0 : i32
      %dma_wait3A_52 = tpu.memref_slice %arg4[%select_n3A, %dma_wait3A, %mul3A_32] : memref<8x32x1024xi32, #tpu.memory_space<hbm>> -> memref<1x32x256xi32, #tpu.memory_space<hbm>>
      %dma_wait3A_53 = tpu.memref_squeeze %dma_wait3A_52 : memref<1x32x256xi32, #tpu.memory_space<hbm>> -> memref<32x256xi32, #tpu.memory_space<hbm>>
      %dma_wait3A_54 = arith.constant 0 : i32
      %dma_wait3A_55 = tpu.memref_slice %arg4[%select_n3A, %dma_wait3A_54, %mul3A_32] : memref<8x32x1024xi32, #tpu.memory_space<hbm>> -> memref<1x32x256xi32, #tpu.memory_space<hbm>>
      %dma_wait3A_56 = tpu.memref_squeeze %dma_wait3A_55 : memref<1x32x256xi32, #tpu.memory_space<hbm>> -> memref<32x256xi32, #tpu.memory_space<hbm>>
      tpu.wait_dma2 semaphore(%run_scoped3A_46 : memref<!tpu.dma_semaphore, #tpu.memory_space<semaphore_mem>>) src(%dma_wait3A_56 : memref<32x256xi32, #tpu.memory_space<hbm>>) dst(%arg12 : memref<32x256xi32, #tpu.memory_space<vmem>>)
      tpu.yield
    }) : () -> ()
    %scan3A = arith.constant 0 : i32
    %scan3A_38 = arith.constant 0 : i32
    %scan3A_39 = arith.constant 512 : i32
    %scan3A_40 = arith.addi %scan3A_38, %scan3A_39 : i32
    %scan3A_41 = arith.constant 1 : i32
    scf.for %scan3A_46 = %scan3A_38 to %scan3A_40 step %scan3A_41  : i32 {
      %jit3A_47 = arith.constant 16 : i32
      %div3A_48 = arith.divsi %scan3A_46, %jit3A_47 : i32
      %sign3A_49 = arith.constant 0 : i32
      %sign3A_50 = arith.cmpi sgt, %scan3A_46, %sign3A_49 : i32
      %sign3A_51 = arith.extui %sign3A_50 : i1 to i32
      %sign3A_52 = arith.constant 0 : i32
      %sign3A_53 = arith.cmpi slt, %scan3A_46, %sign3A_52 : i32
      %sign3A_54 = arith.extui %sign3A_53 : i1 to i32
      %sign3A_55 = arith.subi %sign3A_51, %sign3A_54 : i32
      %sign3A_56 = arith.constant 0 : i32
      %sign3A_57 = arith.cmpi sgt, %jit3A_47, %sign3A_56 : i32
      %sign3A_58 = arith.extui %sign3A_57 : i1 to i32
      %sign3A_59 = arith.constant 0 : i32
      %sign3A_60 = arith.cmpi slt, %jit3A_47, %sign3A_59 : i32
      %sign3A_61 = arith.extui %sign3A_60 : i1 to i32
      %sign3A_62 = arith.subi %sign3A_58, %sign3A_61 : i32
      %ne3A_63 = arith.cmpi ne, %sign3A_55, %sign3A_62 : i32
      %rem3A_64 = arith.remsi %scan3A_46, %jit3A_47 : i32
      %ne3A_65 = arith.constant 0 : i32
      %ne3A_66 = arith.cmpi ne, %rem3A_64, %ne3A_65 : i32
      %and3A_67 = arith.andi %ne3A_63, %ne3A_66 : i1
      %sub3A_68 = arith.constant 1 : i32
      %sub3A_69 = arith.subi %div3A_48, %sub3A_68 : i32
      %select_n3A_70 = arith.select %and3A_67, %sub3A_69, %div3A_48 : i32
      %jit3A_71 = arith.constant 16 : i32
      %eq3A_72 = arith.constant 0 : i32
      %eq3A_73 = arith.cmpi eq, %jit3A_71, %eq3A_72 : i32
      %jit3A_74 = arith.constant 1 : i32
      %select_n3A_75 = arith.select %eq3A_73, %jit3A_74, %jit3A_71 : i32
      %rem3A_76 = arith.remsi %scan3A_46, %select_n3A_75 : i32
      %ne3A_77 = arith.constant 0 : i32
      %ne3A_78 = arith.cmpi ne, %rem3A_76, %ne3A_77 : i32
      %lt3A_79 = arith.constant 0 : i32
      %lt3A_80 = arith.cmpi slt, %rem3A_76, %lt3A_79 : i32
      %lt3A_81 = arith.constant 0 : i32
      %lt3A_82 = arith.cmpi slt, %select_n3A_75, %lt3A_81 : i32
      %ne3A_83 = arith.xori %lt3A_80, %lt3A_82 : i1
      %and3A_84 = arith.andi %ne3A_83, %ne3A_78 : i1
      %add3A_85 = arith.addi %rem3A_76, %select_n3A_75 : i32
      %select_n3A_86 = arith.select %and3A_84, %add3A_85, %rem3A_76 : i32
      %mul3A_87 = arith.constant 16 : i32
      %mul3A_88 = arith.muli %select_n3A_86, %mul3A_87 : i32
      %get3A = arith.index_cast %select_n3A_70 : i32 to index
      %get3A_89 = arith.index_cast %mul3A_88 : i32 to index
      %get3A_90 = tpu.vector_load %arg12[%get3A, %get3A_89] {strides = array<i32>} : memref<32x256xi32, #tpu.memory_space<vmem>>, vector<16xi32>,
      %gather3A = tpu.vector_load_idx %arg6[%get3A_90] : memref<4096xf32, #tpu.memory_space<vmem>>[vector<16xi32>], vector<16xf32>,
      %mul3A_91 = arith.constant 16 : i32
      %mul3A_92 = arith.muli %select_n3A_86, %mul3A_91 : i32
      %get3A_93 = arith.index_cast %mul3A_92 : i32 to index
      %get3A_94 = tpu.vector_load %arg9[%get3A_93] {strides = array<i32>} : memref<256xf32, #tpu.memory_space<vmem>>, vector<16xf32>,
      %sub3A_95 = arith.subf %gather3A, %get3A_94 : vector<16xf32>
      %mul3A_96 = arith.constant 16 : i32
      %mul3A_97 = arith.muli %select_n3A_86, %mul3A_96 : i32
      %swap3A = arith.index_cast %select_n3A_70 : i32 to index
      %swap3A_98 = arith.index_cast %mul3A_97 : i32 to index
      %swap3A_99 = tpu.vector_load %arg13[%swap3A, %swap3A_98] {strides = array<i32>} : memref<32x256xf32, #tpu.memory_space<vmem>>, vector<16xf32>,
      tpu.vector_store %arg13[%swap3A, %swap3A_98], %sub3A_95 {strides = array<i32>} : memref<32x256xf32, #tpu.memory_space<vmem>>, vector<16xf32>,
      %gather3A_100 = tpu.vector_load_idx %arg7[%get3A_90] : memref<4096xf32, #tpu.memory_space<vmem>>[vector<16xi32>], vector<16xf32>,
      %mul3A_101 = arith.constant 16 : i32
      %mul3A_102 = arith.muli %select_n3A_86, %mul3A_101 : i32
      %get3A_103 = arith.index_cast %mul3A_102 : i32 to index
      %get3A_104 = tpu.vector_load %arg10[%get3A_103] {strides = array<i32>} : memref<256xf32, #tpu.memory_space<vmem>>, vector<16xf32>,
      %sub3A_105 = arith.subf %gather3A_100, %get3A_104 : vector<16xf32>
      %mul3A_106 = arith.constant 16 : i32
      %mul3A_107 = arith.muli %select_n3A_86, %mul3A_106 : i32
      %swap3A_108 = arith.index_cast %select_n3A_70 : i32 to index
      %swap3A_109 = arith.index_cast %mul3A_107 : i32 to index
      %swap3A_110 = tpu.vector_load %arg14[%swap3A_108, %swap3A_109] {strides = array<i32>} : memref<32x256xf32, #tpu.memory_space<vmem>>, vector<16xf32>,
      tpu.vector_store %arg14[%swap3A_108, %swap3A_109], %sub3A_105 {strides = array<i32>} : memref<32x256xf32, #tpu.memory_space<vmem>>, vector<16xf32>,
      %gather3A_111 = tpu.vector_load_idx %arg8[%get3A_90] : memref<4096xf32, #tpu.memory_space<vmem>>[vector<16xi32>], vector<16xf32>,
      %mul3A_112 = arith.constant 16 : i32
      %mul3A_113 = arith.muli %select_n3A_86, %mul3A_112 : i32
      %get3A_114 = arith.index_cast %mul3A_113 : i32 to index
      %get3A_115 = tpu.vector_load %arg11[%get3A_114] {strides = array<i32>} : memref<256xf32, #tpu.memory_space<vmem>>, vector<16xf32>,
      %sub3A_116 = arith.subf %gather3A_111, %get3A_115 : vector<16xf32>
      %mul3A_117 = arith.constant 16 : i32
      %mul3A_118 = arith.muli %select_n3A_86, %mul3A_117 : i32
      %swap3A_119 = arith.index_cast %select_n3A_70 : i32 to index
      %swap3A_120 = arith.index_cast %mul3A_118 : i32 to index
      %swap3A_121 = tpu.vector_load %arg15[%swap3A_119, %swap3A_120] {strides = array<i32>} : memref<32x256xf32, #tpu.memory_space<vmem>>, vector<16xf32>,
      tpu.vector_store %arg15[%swap3A_119, %swap3A_120], %sub3A_116 {strides = array<i32>} : memref<32x256xf32, #tpu.memory_space<vmem>>, vector<16xf32>,
    }
    %scan3A_42 = arith.constant 512 : i32
    %run_scoped3A_43 = arith.constant 0 : i32
    "tpu.region"() ({
      %run_scoped3A_46 = tpu.sem_alloc : memref<!tpu.dma_semaphore, #tpu.memory_space<semaphore_mem>>
      %dma_start3A = arith.constant 0 : i32
      %dma_start3A_47 = tpu.memref_slice %arg5[%run_scoped3A_43, %select_n3A, %dma_start3A, %mul3A_32] : memref<3x8x32x1024xf32, #tpu.memory_space<hbm>> -> memref<1x1x32x256xf32, #tpu.memory_space<hbm>>
      %dma_start3A_48 = tpu.memref_squeeze %dma_start3A_47 : memref<1x1x32x256xf32, #tpu.memory_space<hbm>> -> memref<32x256xf32, #tpu.memory_space<hbm>>
      %dma_start3A_49 = arith.constant 0 : i32
      %dma_start3A_50 = tpu.memref_slice %arg5[%run_scoped3A_43, %select_n3A, %dma_start3A_49, %mul3A_32] : memref<3x8x32x1024xf32, #tpu.memory_space<hbm>> -> memref<1x1x32x256xf32, #tpu.memory_space<hbm>>
      %dma_start3A_51 = tpu.memref_squeeze %dma_start3A_50 : memref<1x1x32x256xf32, #tpu.memory_space<hbm>> -> memref<32x256xf32, #tpu.memory_space<hbm>>
      tpu.enqueue_dma source(%arg13 : memref<32x256xf32, #tpu.memory_space<vmem>>) target(%dma_start3A_51 : memref<32x256xf32, #tpu.memory_space<hbm>>) target_semaphore(%run_scoped3A_46 : memref<!tpu.dma_semaphore, #tpu.memory_space<semaphore_mem>>)
      %dma_wait3A = arith.constant 0 : i32
      %dma_wait3A_52 = tpu.memref_slice %arg5[%run_scoped3A_43, %select_n3A, %dma_wait3A, %mul3A_32] : memref<3x8x32x1024xf32, #tpu.memory_space<hbm>> -> memref<1x1x32x256xf32, #tpu.memory_space<hbm>>
      %dma_wait3A_53 = tpu.memref_squeeze %dma_wait3A_52 : memref<1x1x32x256xf32, #tpu.memory_space<hbm>> -> memref<32x256xf32, #tpu.memory_space<hbm>>
      %dma_wait3A_54 = arith.constant 0 : i32
      %dma_wait3A_55 = tpu.memref_slice %arg5[%run_scoped3A_43, %select_n3A, %dma_wait3A_54, %mul3A_32] : memref<3x8x32x1024xf32, #tpu.memory_space<hbm>> -> memref<1x1x32x256xf32, #tpu.memory_space<hbm>>
      %dma_wait3A_56 = tpu.memref_squeeze %dma_wait3A_55 : memref<1x1x32x256xf32, #tpu.memory_space<hbm>> -> memref<32x256xf32, #tpu.memory_space<hbm>>
      tpu.wait_dma2 semaphore(%run_scoped3A_46 : memref<!tpu.dma_semaphore, #tpu.memory_space<semaphore_mem>>) src(%arg13 : memref<32x256xf32, #tpu.memory_space<vmem>>) dst(%dma_wait3A_56 : memref<32x256xf32, #tpu.memory_space<hbm>>)
      tpu.yield
    }) : () -> ()
    %run_scoped3A_44 = arith.constant 1 : i32
    "tpu.region"() ({
      %run_scoped3A_46 = tpu.sem_alloc : memref<!tpu.dma_semaphore, #tpu.memory_space<semaphore_mem>>
      %dma_start3A = arith.constant 0 : i32
      %dma_start3A_47 = tpu.memref_slice %arg5[%run_scoped3A_44, %select_n3A, %dma_start3A, %mul3A_32] : memref<3x8x32x1024xf32, #tpu.memory_space<hbm>> -> memref<1x1x32x256xf32, #tpu.memory_space<hbm>>
      %dma_start3A_48 = tpu.memref_squeeze %dma_start3A_47 : memref<1x1x32x256xf32, #tpu.memory_space<hbm>> -> memref<32x256xf32, #tpu.memory_space<hbm>>
      %dma_start3A_49 = arith.constant 0 : i32
      %dma_start3A_50 = tpu.memref_slice %arg5[%run_scoped3A_44, %select_n3A, %dma_start3A_49, %mul3A_32] : memref<3x8x32x1024xf32, #tpu.memory_space<hbm>> -> memref<1x1x32x256xf32, #tpu.memory_space<hbm>>
      %dma_start3A_51 = tpu.memref_squeeze %dma_start3A_50 : memref<1x1x32x256xf32, #tpu.memory_space<hbm>> -> memref<32x256xf32, #tpu.memory_space<hbm>>
      tpu.enqueue_dma source(%arg14 : memref<32x256xf32, #tpu.memory_space<vmem>>) target(%dma_start3A_51 : memref<32x256xf32, #tpu.memory_space<hbm>>) target_semaphore(%run_scoped3A_46 : memref<!tpu.dma_semaphore, #tpu.memory_space<semaphore_mem>>)
      %dma_wait3A = arith.constant 0 : i32
      %dma_wait3A_52 = tpu.memref_slice %arg5[%run_scoped3A_44, %select_n3A, %dma_wait3A, %mul3A_32] : memref<3x8x32x1024xf32, #tpu.memory_space<hbm>> -> memref<1x1x32x256xf32, #tpu.memory_space<hbm>>
      %dma_wait3A_53 = tpu.memref_squeeze %dma_wait3A_52 : memref<1x1x32x256xf32, #tpu.memory_space<hbm>> -> memref<32x256xf32, #tpu.memory_space<hbm>>
      %dma_wait3A_54 = arith.constant 0 : i32
      %dma_wait3A_55 = tpu.memref_slice %arg5[%run_scoped3A_44, %select_n3A, %dma_wait3A_54, %mul3A_32] : memref<3x8x32x1024xf32, #tpu.memory_space<hbm>> -> memref<1x1x32x256xf32, #tpu.memory_space<hbm>>
      %dma_wait3A_56 = tpu.memref_squeeze %dma_wait3A_55 : memref<1x1x32x256xf32, #tpu.memory_space<hbm>> -> memref<32x256xf32, #tpu.memory_space<hbm>>
      tpu.wait_dma2 semaphore(%run_scoped3A_46 : memref<!tpu.dma_semaphore, #tpu.memory_space<semaphore_mem>>) src(%arg14 : memref<32x256xf32, #tpu.memory_space<vmem>>) dst(%dma_wait3A_56 : memref<32x256xf32, #tpu.memory_space<hbm>>)
      tpu.yield
    }) : () -> ()
    %run_scoped3A_45 = arith.constant 2 : i32
    "tpu.region"() ({
      %run_scoped3A_46 = tpu.sem_alloc : memref<!tpu.dma_semaphore, #tpu.memory_space<semaphore_mem>>
      %dma_start3A = arith.constant 0 : i32
      %dma_start3A_47 = tpu.memref_slice %arg5[%run_scoped3A_45, %select_n3A, %dma_start3A, %mul3A_32] : memref<3x8x32x1024xf32, #tpu.memory_space<hbm>> -> memref<1x1x32x256xf32, #tpu.memory_space<hbm>>
      %dma_start3A_48 = tpu.memref_squeeze %dma_start3A_47 : memref<1x1x32x256xf32, #tpu.memory_space<hbm>> -> memref<32x256xf32, #tpu.memory_space<hbm>>
      %dma_start3A_49 = arith.constant 0 : i32
      %dma_start3A_50 = tpu.memref_slice %arg5[%run_scoped3A_45, %select_n3A, %dma_start3A_49, %mul3A_32] : memref<3x8x32x1024xf32, #tpu.memory_space<hbm>> -> memref<1x1x32x256xf32, #tpu.memory_space<hbm>>
      %dma_start3A_51 = tpu.memref_squeeze %dma_start3A_50 : memref<1x1x32x256xf32, #tpu.memory_space<hbm>> -> memref<32x256xf32, #tpu.memory_space<hbm>>
      tpu.enqueue_dma source(%arg15 : memref<32x256xf32, #tpu.memory_space<vmem>>) target(%dma_start3A_51 : memref<32x256xf32, #tpu.memory_space<hbm>>) target_semaphore(%run_scoped3A_46 : memref<!tpu.dma_semaphore, #tpu.memory_space<semaphore_mem>>)
      %dma_wait3A = arith.constant 0 : i32
      %dma_wait3A_52 = tpu.memref_slice %arg5[%run_scoped3A_45, %select_n3A, %dma_wait3A, %mul3A_32] : memref<3x8x32x1024xf32, #tpu.memory_space<hbm>> -> memref<1x1x32x256xf32, #tpu.memory_space<hbm>>
      %dma_wait3A_53 = tpu.memref_squeeze %dma_wait3A_52 : memref<1x1x32x256xf32, #tpu.memory_space<hbm>> -> memref<32x256xf32, #tpu.memory_space<hbm>>
      %dma_wait3A_54 = arith.constant 0 : i32
      %dma_wait3A_55 = tpu.memref_slice %arg5[%run_scoped3A_45, %select_n3A, %dma_wait3A_54, %mul3A_32] : memref<3x8x32x1024xf32, #tpu.memory_space<hbm>> -> memref<1x1x32x256xf32, #tpu.memory_space<hbm>>
      %dma_wait3A_56 = tpu.memref_squeeze %dma_wait3A_55 : memref<1x1x32x256xf32, #tpu.memory_space<hbm>> -> memref<32x256xf32, #tpu.memory_space<hbm>>
      tpu.wait_dma2 semaphore(%run_scoped3A_46 : memref<!tpu.dma_semaphore, #tpu.memory_space<semaphore_mem>>) src(%arg15 : memref<32x256xf32, #tpu.memory_space<vmem>>) dst(%dma_wait3A_56 : memref<32x256xf32, #tpu.memory_space<hbm>>)
      tpu.yield
    }) : () -> ()
    return
  }
}

module attributes {stable_mosaic.version = 14 : i64} {
  func.func @_fps_body(%arg0: memref<3x8x4096xf32, #tpu.memory_space<vmem>>, %arg1: memref<8x1xi32, #tpu.memory_space<vmem>>, %arg2: memref<8x1024x3xf32, #tpu.memory_space<vmem>>) attributes {dimension_semantics = [], scalar_prefetch = 0 : i64, scratch_operands = 0 : i64, tpu.core_type = #tpu.core_type<tc>} {
    %get3A = arith.constant 0 : index
    %get3A_0 = arith.constant 0 : index
    %get3A_1 = arith.constant 0 : index
    %get3A_2 = vector.load %arg0[%get3A, %get3A_0, %get3A_1] : memref<3x8x4096xf32, #tpu.memory_space<vmem>>, vector<1x8x4096xf32>
    %get3A_3 = vector.shape_cast %get3A_2 : vector<1x8x4096xf32> to vector<8x4096xf32>
    %get3A_4 = arith.constant 1 : index
    %get3A_5 = arith.constant 0 : index
    %get3A_6 = arith.constant 0 : index
    %get3A_7 = vector.load %arg0[%get3A_4, %get3A_5, %get3A_6] : memref<3x8x4096xf32, #tpu.memory_space<vmem>>, vector<1x8x4096xf32>
    %get3A_8 = vector.shape_cast %get3A_7 : vector<1x8x4096xf32> to vector<8x4096xf32>
    %get3A_9 = arith.constant 2 : index
    %get3A_10 = arith.constant 0 : index
    %get3A_11 = arith.constant 0 : index
    %get3A_12 = vector.load %arg0[%get3A_9, %get3A_10, %get3A_11] : memref<3x8x4096xf32, #tpu.memory_space<vmem>>, vector<1x8x4096xf32>
    %get3A_13 = vector.shape_cast %get3A_12 : vector<1x8x4096xf32> to vector<8x4096xf32>
    %iota3A = tpu.iota {dimensions = array<i32: 1>} : vector<8x4096xi32>
    %broadcast_in_dim3A = arith.constant 1.000000e+10 : f32
    %broadcast_in_dim3A_14 = vector.broadcast %broadcast_in_dim3A : f32 to vector<8x4096xf32>
    %get3A_15 = arith.constant 0 : index
    %get3A_16 = arith.constant 0 : index
    %get3A_17 = vector.load %arg1[%get3A_15, %get3A_16] : memref<8x1xi32, #tpu.memory_space<vmem>>, vector<8x1xi32>
    %scan3A = arith.constant 0 : i32
    %scan3A_18 = arith.constant 1024 : i32
    %scan3A_19 = arith.addi %scan3A, %scan3A_18 : i32
    %scan3A_20 = arith.constant 1 : i32
    %scan3A_21:2 = scf.for %scan3A_23 = %scan3A to %scan3A_19 step %scan3A_20 iter_args(%scan3A_24 = %broadcast_in_dim3A_14, %scan3A_25 = %get3A_17) -> (vector<8x4096xf32>, vector<8x1xi32>)  : i32 {
      %eq3A = vector.broadcast %scan3A_25 : vector<8x1xi32> to vector<8x4096xi32>
      %eq3A_26 = arith.cmpi eq, %iota3A, %eq3A : vector<8x4096xi32>
      %jit3A = arith.constant 0.000000e+00 : f32
      %broadcast_in_dim3A_27 = vector.broadcast %jit3A : f32 to vector<8x4096xf32>
      %select_n3A = arith.select %eq3A_26, %get3A_3, %broadcast_in_dim3A_27 : vector<8x4096xi1>, vector<8x4096xf32>
      %reduce_sum3A = arith.constant dense<0.000000e+00> : vector<8xf32>
      %reduce_sum3A_28 = vector.multi_reduction <add>, %select_n3A, %reduce_sum3A [1] : vector<8x4096xf32> to vector<8xf32>
      %broadcast_in_dim3A_29 = vector.shape_cast %reduce_sum3A_28 : vector<8xf32> to vector<8x1xf32>
      %jit3A_30 = arith.constant 0.000000e+00 : f32
      %broadcast_in_dim3A_31 = vector.broadcast %jit3A_30 : f32 to vector<8x4096xf32>
      %select_n3A_32 = arith.select %eq3A_26, %get3A_8, %broadcast_in_dim3A_31 : vector<8x4096xi1>, vector<8x4096xf32>
      %reduce_sum3A_33 = arith.constant dense<0.000000e+00> : vector<8xf32>
      %reduce_sum3A_34 = vector.multi_reduction <add>, %select_n3A_32, %reduce_sum3A_33 [1] : vector<8x4096xf32> to vector<8xf32>
      %broadcast_in_dim3A_35 = vector.shape_cast %reduce_sum3A_34 : vector<8xf32> to vector<8x1xf32>
      %jit3A_36 = arith.constant 0.000000e+00 : f32
      %broadcast_in_dim3A_37 = vector.broadcast %jit3A_36 : f32 to vector<8x4096xf32>
      %select_n3A_38 = arith.select %eq3A_26, %get3A_13, %broadcast_in_dim3A_37 : vector<8x4096xi1>, vector<8x4096xf32>
      %reduce_sum3A_39 = arith.constant dense<0.000000e+00> : vector<8xf32>
      %reduce_sum3A_40 = vector.multi_reduction <add>, %select_n3A_38, %reduce_sum3A_39 [1] : vector<8x4096xf32> to vector<8xf32>
      %broadcast_in_dim3A_41 = vector.shape_cast %reduce_sum3A_40 : vector<8xf32> to vector<8x1xf32>
      %concatenate3A = tpu.concatenate %broadcast_in_dim3A_29, %broadcast_in_dim3A_35, %broadcast_in_dim3A_41 in 1 : vector<8x1xf32>, vector<8x1xf32>, vector<8x1xf32> -> vector<8x3xf32>
      %broadcast_in_dim3A_42 = vector.shape_cast %concatenate3A : vector<8x3xf32> to vector<8x1x3xf32>
      %swap3A = arith.constant 0 : index
      %swap3A_43 = arith.index_cast %scan3A_23 : i32 to index
      %swap3A_44 = arith.constant 0 : index
      %swap3A_45 = vector.load %arg2[%swap3A, %swap3A_43, %swap3A_44] : memref<8x1024x3xf32, #tpu.memory_space<vmem>>, vector<8x1x3xf32>
      tpu.vector_store %arg2[%swap3A, %swap3A_43, %swap3A_44], %broadcast_in_dim3A_42 {strides = array<i32>} : memref<8x1024x3xf32, #tpu.memory_space<vmem>>, vector<8x1x3xf32>,
      %sub3A = vector.broadcast %broadcast_in_dim3A_29 : vector<8x1xf32> to vector<8x4096xf32>
      %sub3A_46 = arith.subf %get3A_3, %sub3A : vector<8x4096xf32>
      %integer_pow3A = arith.mulf %sub3A_46, %sub3A_46 : vector<8x4096xf32>
      %sub3A_47 = vector.broadcast %broadcast_in_dim3A_41 : vector<8x1xf32> to vector<8x4096xf32>
      %sub3A_48 = arith.subf %get3A_13, %sub3A_47 : vector<8x4096xf32>
      %integer_pow3A_49 = arith.mulf %sub3A_48, %sub3A_48 : vector<8x4096xf32>
      %add3A = arith.addf %integer_pow3A, %integer_pow3A_49 : vector<8x4096xf32>
      %sub3A_50 = vector.broadcast %broadcast_in_dim3A_35 : vector<8x1xf32> to vector<8x4096xf32>
      %sub3A_51 = arith.subf %get3A_8, %sub3A_50 : vector<8x4096xf32>
      %integer_pow3A_52 = arith.mulf %sub3A_51, %sub3A_51 : vector<8x4096xf32>
      %add3A_53 = arith.addf %add3A, %integer_pow3A_52 : vector<8x4096xf32>
      %lt3A = arith.cmpf olt, %add3A_53, %scan3A_24 : vector<8x4096xf32>
      %select_n3A_54 = arith.select %lt3A, %add3A_53, %scan3A_24 : vector<8x4096xi1>, vector<8x4096xf32>
      %reduce_max3A = arith.constant dense<0xFF800000> : vector<8xf32>
      %reduce_max3A_55 = vector.multi_reduction <maximumf>, %select_n3A_54, %reduce_max3A [1] : vector<8x4096xf32> to vector<8xf32>
      %broadcast_in_dim3A_56 = vector.shape_cast %reduce_max3A_55 : vector<8xf32> to vector<8x1xf32>
      %eq3A_57 = vector.broadcast %broadcast_in_dim3A_56 : vector<8x1xf32> to vector<8x4096xf32>
      %eq3A_58 = arith.cmpf oeq, %select_n3A_54, %eq3A_57 : vector<8x4096xf32>
      %jit3A_59 = arith.constant 4096 : i32
      %broadcast_in_dim3A_60 = vector.broadcast %jit3A_59 : i32 to vector<8x4096xi32>
      %select_n3A_61 = arith.select %eq3A_58, %iota3A, %broadcast_in_dim3A_60 : vector<8x4096xi1>, vector<8x4096xi32>
      %reduce_min3A = arith.constant dense<2147483647> : vector<8xi32>
      %reduce_min3A_62 = vector.multi_reduction <minsi>, %select_n3A_61, %reduce_min3A [1] : vector<8x4096xi32> to vector<8xi32>
      %broadcast_in_dim3A_63 = vector.shape_cast %reduce_min3A_62 : vector<8xi32> to vector<8x1xi32>
      scf.yield %select_n3A_54, %broadcast_in_dim3A_63 : vector<8x4096xf32>, vector<8x1xi32>
    }
    %scan3A_22 = arith.constant 1024 : i32
    return
  }
}

module attributes {stable_mosaic.version = 14 : i64} {
  func.func @_knn_body(%arg0: i32, %arg1: memref<1x1024x3xf32, #tpu.memory_space<vmem>>, %arg2: memref<3x1x1x1024xf32, #tpu.memory_space<vmem>>, %arg3: memref<1x32x1024xi32, #tpu.memory_space<vmem>>, %arg4: memref<1024x1024xf32, #tpu.memory_space<vmem>>) attributes {dimension_semantics = [#tpu.dimension_semantics<arbitrary>], iteration_bounds = array<i64: 8>, scalar_prefetch = 0 : i64, scratch_operands = 1 : i64, tpu.core_type = #tpu.core_type<tc>, window_params = [{transform_indices = @transform_0, window_bounds = array<i64: 1, 1024, 3>}, {transform_indices = @transform_1, window_bounds = array<i64: 3, 1, 1, 1024>}, {transform_indices = @transform_2, window_bounds = array<i64: 1, 32, 1024>}]} {
    %get3A = arith.constant 0 : index
    %get3A_0 = arith.constant 0 : index
    %get3A_1 = arith.constant 0 : index
    %get3A_2 = arith.constant 0 : index
    %get3A_3 = vector.load %arg2[%get3A, %get3A_0, %get3A_1, %get3A_2] : memref<3x1x1x1024xf32, #tpu.memory_space<vmem>>, vector<1x1x1x1024xf32>
    %get3A_4 = vector.shape_cast %get3A_3 : vector<1x1x1x1024xf32> to vector<1x1x1024xf32>
    %reshape3A = vector.shape_cast %get3A_4 : vector<1x1x1024xf32> to vector<1x1024xf32>
    %get3A_5 = arith.constant 1 : index
    %get3A_6 = arith.constant 0 : index
    %get3A_7 = arith.constant 0 : index
    %get3A_8 = arith.constant 0 : index
    %get3A_9 = vector.load %arg2[%get3A_5, %get3A_6, %get3A_7, %get3A_8] : memref<3x1x1x1024xf32, #tpu.memory_space<vmem>>, vector<1x1x1x1024xf32>
    %get3A_10 = vector.shape_cast %get3A_9 : vector<1x1x1x1024xf32> to vector<1x1x1024xf32>
    %reshape3A_11 = vector.shape_cast %get3A_10 : vector<1x1x1024xf32> to vector<1x1024xf32>
    %get3A_12 = arith.constant 2 : index
    %get3A_13 = arith.constant 0 : index
    %get3A_14 = arith.constant 0 : index
    %get3A_15 = arith.constant 0 : index
    %get3A_16 = vector.load %arg2[%get3A_12, %get3A_13, %get3A_14, %get3A_15] : memref<3x1x1x1024xf32, #tpu.memory_space<vmem>>, vector<1x1x1x1024xf32>
    %get3A_17 = vector.shape_cast %get3A_16 : vector<1x1x1x1024xf32> to vector<1x1x1024xf32>
    %reshape3A_18 = vector.shape_cast %get3A_17 : vector<1x1x1024xf32> to vector<1x1024xf32>
    %get3A_19 = arith.constant 0 : index
    %get3A_20 = arith.constant 0 : index
    %get3A_21 = arith.constant 0 : index
    %get3A_22 = vector.load %arg1[%get3A_19, %get3A_20, %get3A_21] : memref<1x1024x3xf32, #tpu.memory_space<vmem>>, vector<1x128x1xf32>
    %get3A_23 = vector.shape_cast %get3A_22 : vector<1x128x1xf32> to vector<128x1xf32>
    %get3A_24 = arith.constant 0 : index
    %get3A_25 = arith.constant 0 : index
    %get3A_26 = arith.constant 1 : index
    %get3A_27 = vector.load %arg1[%get3A_24, %get3A_25, %get3A_26] : memref<1x1024x3xf32, #tpu.memory_space<vmem>>, vector<1x128x1xf32>
    %get3A_28 = vector.shape_cast %get3A_27 : vector<1x128x1xf32> to vector<128x1xf32>
    %get3A_29 = arith.constant 0 : index
    %get3A_30 = arith.constant 0 : index
    %get3A_31 = arith.constant 2 : index
    %get3A_32 = vector.load %arg1[%get3A_29, %get3A_30, %get3A_31] : memref<1x1024x3xf32, #tpu.memory_space<vmem>>, vector<1x128x1xf32>
    %get3A_33 = vector.shape_cast %get3A_32 : vector<1x128x1xf32> to vector<128x1xf32>
    %iota3A = tpu.iota {dimensions = array<i32: 0>} : vector<128x1024xi32>
    %add3A = arith.constant 0 : i32
    %add3A_34 = vector.broadcast %add3A : i32 to vector<128x1024xi32>
    %add3A_35 = arith.addi %iota3A, %add3A_34 : vector<128x1024xi32>
    %iota3A_36 = tpu.iota {dimensions = array<i32: 1>} : vector<128x1024xi32>
    %sub3A = vector.broadcast %get3A_23 : vector<128x1xf32> to vector<128x1024xf32>
    %sub3A_37 = vector.broadcast %reshape3A : vector<1x1024xf32> to vector<128x1024xf32>
    %sub3A_38 = arith.subf %sub3A, %sub3A_37 : vector<128x1024xf32>
    %integer_pow3A = arith.mulf %sub3A_38, %sub3A_38 : vector<128x1024xf32>
    %sub3A_39 = vector.broadcast %get3A_33 : vector<128x1xf32> to vector<128x1024xf32>
    %sub3A_40 = vector.broadcast %reshape3A_18 : vector<1x1024xf32> to vector<128x1024xf32>
    %sub3A_41 = arith.subf %sub3A_39, %sub3A_40 : vector<128x1024xf32>
    %integer_pow3A_42 = arith.mulf %sub3A_41, %sub3A_41 : vector<128x1024xf32>
    %add3A_43 = arith.addf %integer_pow3A, %integer_pow3A_42 : vector<128x1024xf32>
    %sub3A_44 = vector.broadcast %get3A_28 : vector<128x1xf32> to vector<128x1024xf32>
    %sub3A_45 = vector.broadcast %reshape3A_11 : vector<1x1024xf32> to vector<128x1024xf32>
    %sub3A_46 = arith.subf %sub3A_44, %sub3A_45 : vector<128x1024xf32>
    %integer_pow3A_47 = arith.mulf %sub3A_46, %sub3A_46 : vector<128x1024xf32>
    %add3A_48 = arith.addf %add3A_43, %integer_pow3A_47 : vector<128x1024xf32>
    %eq3A = arith.cmpi eq, %add3A_35, %iota3A_36 : vector<128x1024xi32>
    %jit3A = arith.constant 1.000000e+30 : f32
    %broadcast_in_dim3A = vector.broadcast %jit3A : f32 to vector<128x1024xf32>
    %select_n3A = arith.select %eq3A, %broadcast_in_dim3A, %add3A_48 : vector<128x1024xi1>, vector<128x1024xf32>
    %swap3A = arith.constant 0 : index
    %swap3A_49 = arith.constant 0 : index
    %swap3A_50 = vector.load %arg4[%swap3A, %swap3A_49] : memref<1024x1024xf32, #tpu.memory_space<vmem>>, vector<128x1024xf32>
    tpu.vector_store %arg4[%swap3A, %swap3A_49], %select_n3A {strides = array<i32>} : memref<1024x1024xf32, #tpu.memory_space<vmem>>, vector<128x1024xf32>,
    %get3A_51 = arith.constant 0 : index
    %get3A_52 = arith.constant 128 : index
    %get3A_53 = arith.constant 0 : index
    %get3A_54 = vector.load %arg1[%get3A_51, %get3A_52, %get3A_53] : memref<1x1024x3xf32, #tpu.memory_space<vmem>>, vector<1x128x1xf32>
    %get3A_55 = vector.shape_cast %get3A_54 : vector<1x128x1xf32> to vector<128x1xf32>
    %get3A_56 = arith.constant 0 : index
    %get3A_57 = arith.constant 128 : index
    %get3A_58 = arith.constant 1 : index
    %get3A_59 = vector.load %arg1[%get3A_56, %get3A_57, %get3A_58] : memref<1x1024x3xf32, #tpu.memory_space<vmem>>, vector<1x128x1xf32>
    %get3A_60 = vector.shape_cast %get3A_59 : vector<1x128x1xf32> to vector<128x1xf32>
    %get3A_61 = arith.constant 0 : index
    %get3A_62 = arith.constant 128 : index
    %get3A_63 = arith.constant 2 : index
    %get3A_64 = vector.load %arg1[%get3A_61, %get3A_62, %get3A_63] : memref<1x1024x3xf32, #tpu.memory_space<vmem>>, vector<1x128x1xf32>
    %get3A_65 = vector.shape_cast %get3A_64 : vector<1x128x1xf32> to vector<128x1xf32>
    %iota3A_66 = tpu.iota {dimensions = array<i32: 0>} : vector<128x1024xi32>
    %add3A_67 = arith.constant 128 : i32
    %add3A_68 = vector.broadcast %add3A_67 : i32 to vector<128x1024xi32>
    %add3A_69 = arith.addi %iota3A_66, %add3A_68 : vector<128x1024xi32>
    %iota3A_70 = tpu.iota {dimensions = array<i32: 1>} : vector<128x1024xi32>
    %sub3A_71 = vector.broadcast %get3A_55 : vector<128x1xf32> to vector<128x1024xf32>
    %sub3A_72 = vector.broadcast %reshape3A : vector<1x1024xf32> to vector<128x1024xf32>
    %sub3A_73 = arith.subf %sub3A_71, %sub3A_72 : vector<128x1024xf32>
    %integer_pow3A_74 = arith.mulf %sub3A_73, %sub3A_73 : vector<128x1024xf32>
    %sub3A_75 = vector.broadcast %get3A_65 : vector<128x1xf32> to vector<128x1024xf32>
    %sub3A_76 = vector.broadcast %reshape3A_18 : vector<1x1024xf32> to vector<128x1024xf32>
    %sub3A_77 = arith.subf %sub3A_75, %sub3A_76 : vector<128x1024xf32>
    %integer_pow3A_78 = arith.mulf %sub3A_77, %sub3A_77 : vector<128x1024xf32>
    %add3A_79 = arith.addf %integer_pow3A_74, %integer_pow3A_78 : vector<128x1024xf32>
    %sub3A_80 = vector.broadcast %get3A_60 : vector<128x1xf32> to vector<128x1024xf32>
    %sub3A_81 = vector.broadcast %reshape3A_11 : vector<1x1024xf32> to vector<128x1024xf32>
    %sub3A_82 = arith.subf %sub3A_80, %sub3A_81 : vector<128x1024xf32>
    %integer_pow3A_83 = arith.mulf %sub3A_82, %sub3A_82 : vector<128x1024xf32>
    %add3A_84 = arith.addf %add3A_79, %integer_pow3A_83 : vector<128x1024xf32>
    %eq3A_85 = arith.cmpi eq, %add3A_69, %iota3A_70 : vector<128x1024xi32>
    %jit3A_86 = arith.constant 1.000000e+30 : f32
    %broadcast_in_dim3A_87 = vector.broadcast %jit3A_86 : f32 to vector<128x1024xf32>
    %select_n3A_88 = arith.select %eq3A_85, %broadcast_in_dim3A_87, %add3A_84 : vector<128x1024xi1>, vector<128x1024xf32>
    %swap3A_89 = arith.constant 128 : index
    %swap3A_90 = arith.constant 0 : index
    %swap3A_91 = vector.load %arg4[%swap3A_89, %swap3A_90] : memref<1024x1024xf32, #tpu.memory_space<vmem>>, vector<128x1024xf32>
    tpu.vector_store %arg4[%swap3A_89, %swap3A_90], %select_n3A_88 {strides = array<i32>} : memref<1024x1024xf32, #tpu.memory_space<vmem>>, vector<128x1024xf32>,
    %get3A_92 = arith.constant 0 : index
    %get3A_93 = arith.constant 256 : index
    %get3A_94 = arith.constant 0 : index
    %get3A_95 = vector.load %arg1[%get3A_92, %get3A_93, %get3A_94] : memref<1x1024x3xf32, #tpu.memory_space<vmem>>, vector<1x128x1xf32>
    %get3A_96 = vector.shape_cast %get3A_95 : vector<1x128x1xf32> to vector<128x1xf32>
    %get3A_97 = arith.constant 0 : index
    %get3A_98 = arith.constant 256 : index
    %get3A_99 = arith.constant 1 : index
    %get3A_100 = vector.load %arg1[%get3A_97, %get3A_98, %get3A_99] : memref<1x1024x3xf32, #tpu.memory_space<vmem>>, vector<1x128x1xf32>
    %get3A_101 = vector.shape_cast %get3A_100 : vector<1x128x1xf32> to vector<128x1xf32>
    %get3A_102 = arith.constant 0 : index
    %get3A_103 = arith.constant 256 : index
    %get3A_104 = arith.constant 2 : index
    %get3A_105 = vector.load %arg1[%get3A_102, %get3A_103, %get3A_104] : memref<1x1024x3xf32, #tpu.memory_space<vmem>>, vector<1x128x1xf32>
    %get3A_106 = vector.shape_cast %get3A_105 : vector<1x128x1xf32> to vector<128x1xf32>
    %iota3A_107 = tpu.iota {dimensions = array<i32: 0>} : vector<128x1024xi32>
    %add3A_108 = arith.constant 256 : i32
    %add3A_109 = vector.broadcast %add3A_108 : i32 to vector<128x1024xi32>
    %add3A_110 = arith.addi %iota3A_107, %add3A_109 : vector<128x1024xi32>
    %iota3A_111 = tpu.iota {dimensions = array<i32: 1>} : vector<128x1024xi32>
    %sub3A_112 = vector.broadcast %get3A_96 : vector<128x1xf32> to vector<128x1024xf32>
    %sub3A_113 = vector.broadcast %reshape3A : vector<1x1024xf32> to vector<128x1024xf32>
    %sub3A_114 = arith.subf %sub3A_112, %sub3A_113 : vector<128x1024xf32>
    %integer_pow3A_115 = arith.mulf %sub3A_114, %sub3A_114 : vector<128x1024xf32>
    %sub3A_116 = vector.broadcast %get3A_106 : vector<128x1xf32> to vector<128x1024xf32>
    %sub3A_117 = vector.broadcast %reshape3A_18 : vector<1x1024xf32> to vector<128x1024xf32>
    %sub3A_118 = arith.subf %sub3A_116, %sub3A_117 : vector<128x1024xf32>
    %integer_pow3A_119 = arith.mulf %sub3A_118, %sub3A_118 : vector<128x1024xf32>
    %add3A_120 = arith.addf %integer_pow3A_115, %integer_pow3A_119 : vector<128x1024xf32>
    %sub3A_121 = vector.broadcast %get3A_101 : vector<128x1xf32> to vector<128x1024xf32>
    %sub3A_122 = vector.broadcast %reshape3A_11 : vector<1x1024xf32> to vector<128x1024xf32>
    %sub3A_123 = arith.subf %sub3A_121, %sub3A_122 : vector<128x1024xf32>
    %integer_pow3A_124 = arith.mulf %sub3A_123, %sub3A_123 : vector<128x1024xf32>
    %add3A_125 = arith.addf %add3A_120, %integer_pow3A_124 : vector<128x1024xf32>
    %eq3A_126 = arith.cmpi eq, %add3A_110, %iota3A_111 : vector<128x1024xi32>
    %jit3A_127 = arith.constant 1.000000e+30 : f32
    %broadcast_in_dim3A_128 = vector.broadcast %jit3A_127 : f32 to vector<128x1024xf32>
    %select_n3A_129 = arith.select %eq3A_126, %broadcast_in_dim3A_128, %add3A_125 : vector<128x1024xi1>, vector<128x1024xf32>
    %swap3A_130 = arith.constant 256 : index
    %swap3A_131 = arith.constant 0 : index
    %swap3A_132 = vector.load %arg4[%swap3A_130, %swap3A_131] : memref<1024x1024xf32, #tpu.memory_space<vmem>>, vector<128x1024xf32>
    tpu.vector_store %arg4[%swap3A_130, %swap3A_131], %select_n3A_129 {strides = array<i32>} : memref<1024x1024xf32, #tpu.memory_space<vmem>>, vector<128x1024xf32>,
    %get3A_133 = arith.constant 0 : index
    %get3A_134 = arith.constant 384 : index
    %get3A_135 = arith.constant 0 : index
    %get3A_136 = vector.load %arg1[%get3A_133, %get3A_134, %get3A_135] : memref<1x1024x3xf32, #tpu.memory_space<vmem>>, vector<1x128x1xf32>
    %get3A_137 = vector.shape_cast %get3A_136 : vector<1x128x1xf32> to vector<128x1xf32>
    %get3A_138 = arith.constant 0 : index
    %get3A_139 = arith.constant 384 : index
    %get3A_140 = arith.constant 1 : index
    %get3A_141 = vector.load %arg1[%get3A_138, %get3A_139, %get3A_140] : memref<1x1024x3xf32, #tpu.memory_space<vmem>>, vector<1x128x1xf32>
    %get3A_142 = vector.shape_cast %get3A_141 : vector<1x128x1xf32> to vector<128x1xf32>
    %get3A_143 = arith.constant 0 : index
    %get3A_144 = arith.constant 384 : index
    %get3A_145 = arith.constant 2 : index
    %get3A_146 = vector.load %arg1[%get3A_143, %get3A_144, %get3A_145] : memref<1x1024x3xf32, #tpu.memory_space<vmem>>, vector<1x128x1xf32>
    %get3A_147 = vector.shape_cast %get3A_146 : vector<1x128x1xf32> to vector<128x1xf32>
    %iota3A_148 = tpu.iota {dimensions = array<i32: 0>} : vector<128x1024xi32>
    %add3A_149 = arith.constant 384 : i32
    %add3A_150 = vector.broadcast %add3A_149 : i32 to vector<128x1024xi32>
    %add3A_151 = arith.addi %iota3A_148, %add3A_150 : vector<128x1024xi32>
    %iota3A_152 = tpu.iota {dimensions = array<i32: 1>} : vector<128x1024xi32>
    %sub3A_153 = vector.broadcast %get3A_137 : vector<128x1xf32> to vector<128x1024xf32>
    %sub3A_154 = vector.broadcast %reshape3A : vector<1x1024xf32> to vector<128x1024xf32>
    %sub3A_155 = arith.subf %sub3A_153, %sub3A_154 : vector<128x1024xf32>
    %integer_pow3A_156 = arith.mulf %sub3A_155, %sub3A_155 : vector<128x1024xf32>
    %sub3A_157 = vector.broadcast %get3A_147 : vector<128x1xf32> to vector<128x1024xf32>
    %sub3A_158 = vector.broadcast %reshape3A_18 : vector<1x1024xf32> to vector<128x1024xf32>
    %sub3A_159 = arith.subf %sub3A_157, %sub3A_158 : vector<128x1024xf32>
    %integer_pow3A_160 = arith.mulf %sub3A_159, %sub3A_159 : vector<128x1024xf32>
    %add3A_161 = arith.addf %integer_pow3A_156, %integer_pow3A_160 : vector<128x1024xf32>
    %sub3A_162 = vector.broadcast %get3A_142 : vector<128x1xf32> to vector<128x1024xf32>
    %sub3A_163 = vector.broadcast %reshape3A_11 : vector<1x1024xf32> to vector<128x1024xf32>
    %sub3A_164 = arith.subf %sub3A_162, %sub3A_163 : vector<128x1024xf32>
    %integer_pow3A_165 = arith.mulf %sub3A_164, %sub3A_164 : vector<128x1024xf32>
    %add3A_166 = arith.addf %add3A_161, %integer_pow3A_165 : vector<128x1024xf32>
    %eq3A_167 = arith.cmpi eq, %add3A_151, %iota3A_152 : vector<128x1024xi32>
    %jit3A_168 = arith.constant 1.000000e+30 : f32
    %broadcast_in_dim3A_169 = vector.broadcast %jit3A_168 : f32 to vector<128x1024xf32>
    %select_n3A_170 = arith.select %eq3A_167, %broadcast_in_dim3A_169, %add3A_166 : vector<128x1024xi1>, vector<128x1024xf32>
    %swap3A_171 = arith.constant 384 : index
    %swap3A_172 = arith.constant 0 : index
    %swap3A_173 = vector.load %arg4[%swap3A_171, %swap3A_172] : memref<1024x1024xf32, #tpu.memory_space<vmem>>, vector<128x1024xf32>
    tpu.vector_store %arg4[%swap3A_171, %swap3A_172], %select_n3A_170 {strides = array<i32>} : memref<1024x1024xf32, #tpu.memory_space<vmem>>, vector<128x1024xf32>,
    %get3A_174 = arith.constant 0 : index
    %get3A_175 = arith.constant 512 : index
    %get3A_176 = arith.constant 0 : index
    %get3A_177 = vector.load %arg1[%get3A_174, %get3A_175, %get3A_176] : memref<1x1024x3xf32, #tpu.memory_space<vmem>>, vector<1x128x1xf32>
    %get3A_178 = vector.shape_cast %get3A_177 : vector<1x128x1xf32> to vector<128x1xf32>
    %get3A_179 = arith.constant 0 : index
    %get3A_180 = arith.constant 512 : index
    %get3A_181 = arith.constant 1 : index
    %get3A_182 = vector.load %arg1[%get3A_179, %get3A_180, %get3A_181] : memref<1x1024x3xf32, #tpu.memory_space<vmem>>, vector<1x128x1xf32>
    %get3A_183 = vector.shape_cast %get3A_182 : vector<1x128x1xf32> to vector<128x1xf32>
    %get3A_184 = arith.constant 0 : index
    %get3A_185 = arith.constant 512 : index
    %get3A_186 = arith.constant 2 : index
    %get3A_187 = vector.load %arg1[%get3A_184, %get3A_185, %get3A_186] : memref<1x1024x3xf32, #tpu.memory_space<vmem>>, vector<1x128x1xf32>
    %get3A_188 = vector.shape_cast %get3A_187 : vector<1x128x1xf32> to vector<128x1xf32>
    %iota3A_189 = tpu.iota {dimensions = array<i32: 0>} : vector<128x1024xi32>
    %add3A_190 = arith.constant 512 : i32
    %add3A_191 = vector.broadcast %add3A_190 : i32 to vector<128x1024xi32>
    %add3A_192 = arith.addi %iota3A_189, %add3A_191 : vector<128x1024xi32>
    %iota3A_193 = tpu.iota {dimensions = array<i32: 1>} : vector<128x1024xi32>
    %sub3A_194 = vector.broadcast %get3A_178 : vector<128x1xf32> to vector<128x1024xf32>
    %sub3A_195 = vector.broadcast %reshape3A : vector<1x1024xf32> to vector<128x1024xf32>
    %sub3A_196 = arith.subf %sub3A_194, %sub3A_195 : vector<128x1024xf32>
    %integer_pow3A_197 = arith.mulf %sub3A_196, %sub3A_196 : vector<128x1024xf32>
    %sub3A_198 = vector.broadcast %get3A_188 : vector<128x1xf32> to vector<128x1024xf32>
    %sub3A_199 = vector.broadcast %reshape3A_18 : vector<1x1024xf32> to vector<128x1024xf32>
    %sub3A_200 = arith.subf %sub3A_198, %sub3A_199 : vector<128x1024xf32>
    %integer_pow3A_201 = arith.mulf %sub3A_200, %sub3A_200 : vector<128x1024xf32>
    %add3A_202 = arith.addf %integer_pow3A_197, %integer_pow3A_201 : vector<128x1024xf32>
    %sub3A_203 = vector.broadcast %get3A_183 : vector<128x1xf32> to vector<128x1024xf32>
    %sub3A_204 = vector.broadcast %reshape3A_11 : vector<1x1024xf32> to vector<128x1024xf32>
    %sub3A_205 = arith.subf %sub3A_203, %sub3A_204 : vector<128x1024xf32>
    %integer_pow3A_206 = arith.mulf %sub3A_205, %sub3A_205 : vector<128x1024xf32>
    %add3A_207 = arith.addf %add3A_202, %integer_pow3A_206 : vector<128x1024xf32>
    %eq3A_208 = arith.cmpi eq, %add3A_192, %iota3A_193 : vector<128x1024xi32>
    %jit3A_209 = arith.constant 1.000000e+30 : f32
    %broadcast_in_dim3A_210 = vector.broadcast %jit3A_209 : f32 to vector<128x1024xf32>
    %select_n3A_211 = arith.select %eq3A_208, %broadcast_in_dim3A_210, %add3A_207 : vector<128x1024xi1>, vector<128x1024xf32>
    %swap3A_212 = arith.constant 512 : index
    %swap3A_213 = arith.constant 0 : index
    %swap3A_214 = vector.load %arg4[%swap3A_212, %swap3A_213] : memref<1024x1024xf32, #tpu.memory_space<vmem>>, vector<128x1024xf32>
    tpu.vector_store %arg4[%swap3A_212, %swap3A_213], %select_n3A_211 {strides = array<i32>} : memref<1024x1024xf32, #tpu.memory_space<vmem>>, vector<128x1024xf32>,
    %get3A_215 = arith.constant 0 : index
    %get3A_216 = arith.constant 640 : index
    %get3A_217 = arith.constant 0 : index
    %get3A_218 = vector.load %arg1[%get3A_215, %get3A_216, %get3A_217] : memref<1x1024x3xf32, #tpu.memory_space<vmem>>, vector<1x128x1xf32>
    %get3A_219 = vector.shape_cast %get3A_218 : vector<1x128x1xf32> to vector<128x1xf32>
    %get3A_220 = arith.constant 0 : index
    %get3A_221 = arith.constant 640 : index
    %get3A_222 = arith.constant 1 : index
    %get3A_223 = vector.load %arg1[%get3A_220, %get3A_221, %get3A_222] : memref<1x1024x3xf32, #tpu.memory_space<vmem>>, vector<1x128x1xf32>
    %get3A_224 = vector.shape_cast %get3A_223 : vector<1x128x1xf32> to vector<128x1xf32>
    %get3A_225 = arith.constant 0 : index
    %get3A_226 = arith.constant 640 : index
    %get3A_227 = arith.constant 2 : index
    %get3A_228 = vector.load %arg1[%get3A_225, %get3A_226, %get3A_227] : memref<1x1024x3xf32, #tpu.memory_space<vmem>>, vector<1x128x1xf32>
    %get3A_229 = vector.shape_cast %get3A_228 : vector<1x128x1xf32> to vector<128x1xf32>
    %iota3A_230 = tpu.iota {dimensions = array<i32: 0>} : vector<128x1024xi32>
    %add3A_231 = arith.constant 640 : i32
    %add3A_232 = vector.broadcast %add3A_231 : i32 to vector<128x1024xi32>
    %add3A_233 = arith.addi %iota3A_230, %add3A_232 : vector<128x1024xi32>
    %iota3A_234 = tpu.iota {dimensions = array<i32: 1>} : vector<128x1024xi32>
    %sub3A_235 = vector.broadcast %get3A_219 : vector<128x1xf32> to vector<128x1024xf32>
    %sub3A_236 = vector.broadcast %reshape3A : vector<1x1024xf32> to vector<128x1024xf32>
    %sub3A_237 = arith.subf %sub3A_235, %sub3A_236 : vector<128x1024xf32>
    %integer_pow3A_238 = arith.mulf %sub3A_237, %sub3A_237 : vector<128x1024xf32>
    %sub3A_239 = vector.broadcast %get3A_229 : vector<128x1xf32> to vector<128x1024xf32>
    %sub3A_240 = vector.broadcast %reshape3A_18 : vector<1x1024xf32> to vector<128x1024xf32>
    %sub3A_241 = arith.subf %sub3A_239, %sub3A_240 : vector<128x1024xf32>
    %integer_pow3A_242 = arith.mulf %sub3A_241, %sub3A_241 : vector<128x1024xf32>
    %add3A_243 = arith.addf %integer_pow3A_238, %integer_pow3A_242 : vector<128x1024xf32>
    %sub3A_244 = vector.broadcast %get3A_224 : vector<128x1xf32> to vector<128x1024xf32>
    %sub3A_245 = vector.broadcast %reshape3A_11 : vector<1x1024xf32> to vector<128x1024xf32>
    %sub3A_246 = arith.subf %sub3A_244, %sub3A_245 : vector<128x1024xf32>
    %integer_pow3A_247 = arith.mulf %sub3A_246, %sub3A_246 : vector<128x1024xf32>
    %add3A_248 = arith.addf %add3A_243, %integer_pow3A_247 : vector<128x1024xf32>
    %eq3A_249 = arith.cmpi eq, %add3A_233, %iota3A_234 : vector<128x1024xi32>
    %jit3A_250 = arith.constant 1.000000e+30 : f32
    %broadcast_in_dim3A_251 = vector.broadcast %jit3A_250 : f32 to vector<128x1024xf32>
    %select_n3A_252 = arith.select %eq3A_249, %broadcast_in_dim3A_251, %add3A_248 : vector<128x1024xi1>, vector<128x1024xf32>
    %swap3A_253 = arith.constant 640 : index
    %swap3A_254 = arith.constant 0 : index
    %swap3A_255 = vector.load %arg4[%swap3A_253, %swap3A_254] : memref<1024x1024xf32, #tpu.memory_space<vmem>>, vector<128x1024xf32>
    tpu.vector_store %arg4[%swap3A_253, %swap3A_254], %select_n3A_252 {strides = array<i32>} : memref<1024x1024xf32, #tpu.memory_space<vmem>>, vector<128x1024xf32>,
    %get3A_256 = arith.constant 0 : index
    %get3A_257 = arith.constant 768 : index
    %get3A_258 = arith.constant 0 : index
    %get3A_259 = vector.load %arg1[%get3A_256, %get3A_257, %get3A_258] : memref<1x1024x3xf32, #tpu.memory_space<vmem>>, vector<1x128x1xf32>
    %get3A_260 = vector.shape_cast %get3A_259 : vector<1x128x1xf32> to vector<128x1xf32>
    %get3A_261 = arith.constant 0 : index
    %get3A_262 = arith.constant 768 : index
    %get3A_263 = arith.constant 1 : index
    %get3A_264 = vector.load %arg1[%get3A_261, %get3A_262, %get3A_263] : memref<1x1024x3xf32, #tpu.memory_space<vmem>>, vector<1x128x1xf32>
    %get3A_265 = vector.shape_cast %get3A_264 : vector<1x128x1xf32> to vector<128x1xf32>
    %get3A_266 = arith.constant 0 : index
    %get3A_267 = arith.constant 768 : index
    %get3A_268 = arith.constant 2 : index
    %get3A_269 = vector.load %arg1[%get3A_266, %get3A_267, %get3A_268] : memref<1x1024x3xf32, #tpu.memory_space<vmem>>, vector<1x128x1xf32>
    %get3A_270 = vector.shape_cast %get3A_269 : vector<1x128x1xf32> to vector<128x1xf32>
    %iota3A_271 = tpu.iota {dimensions = array<i32: 0>} : vector<128x1024xi32>
    %add3A_272 = arith.constant 768 : i32
    %add3A_273 = vector.broadcast %add3A_272 : i32 to vector<128x1024xi32>
    %add3A_274 = arith.addi %iota3A_271, %add3A_273 : vector<128x1024xi32>
    %iota3A_275 = tpu.iota {dimensions = array<i32: 1>} : vector<128x1024xi32>
    %sub3A_276 = vector.broadcast %get3A_260 : vector<128x1xf32> to vector<128x1024xf32>
    %sub3A_277 = vector.broadcast %reshape3A : vector<1x1024xf32> to vector<128x1024xf32>
    %sub3A_278 = arith.subf %sub3A_276, %sub3A_277 : vector<128x1024xf32>
    %integer_pow3A_279 = arith.mulf %sub3A_278, %sub3A_278 : vector<128x1024xf32>
    %sub3A_280 = vector.broadcast %get3A_270 : vector<128x1xf32> to vector<128x1024xf32>
    %sub3A_281 = vector.broadcast %reshape3A_18 : vector<1x1024xf32> to vector<128x1024xf32>
    %sub3A_282 = arith.subf %sub3A_280, %sub3A_281 : vector<128x1024xf32>
    %integer_pow3A_283 = arith.mulf %sub3A_282, %sub3A_282 : vector<128x1024xf32>
    %add3A_284 = arith.addf %integer_pow3A_279, %integer_pow3A_283 : vector<128x1024xf32>
    %sub3A_285 = vector.broadcast %get3A_265 : vector<128x1xf32> to vector<128x1024xf32>
    %sub3A_286 = vector.broadcast %reshape3A_11 : vector<1x1024xf32> to vector<128x1024xf32>
    %sub3A_287 = arith.subf %sub3A_285, %sub3A_286 : vector<128x1024xf32>
    %integer_pow3A_288 = arith.mulf %sub3A_287, %sub3A_287 : vector<128x1024xf32>
    %add3A_289 = arith.addf %add3A_284, %integer_pow3A_288 : vector<128x1024xf32>
    %eq3A_290 = arith.cmpi eq, %add3A_274, %iota3A_275 : vector<128x1024xi32>
    %jit3A_291 = arith.constant 1.000000e+30 : f32
    %broadcast_in_dim3A_292 = vector.broadcast %jit3A_291 : f32 to vector<128x1024xf32>
    %select_n3A_293 = arith.select %eq3A_290, %broadcast_in_dim3A_292, %add3A_289 : vector<128x1024xi1>, vector<128x1024xf32>
    %swap3A_294 = arith.constant 768 : index
    %swap3A_295 = arith.constant 0 : index
    %swap3A_296 = vector.load %arg4[%swap3A_294, %swap3A_295] : memref<1024x1024xf32, #tpu.memory_space<vmem>>, vector<128x1024xf32>
    tpu.vector_store %arg4[%swap3A_294, %swap3A_295], %select_n3A_293 {strides = array<i32>} : memref<1024x1024xf32, #tpu.memory_space<vmem>>, vector<128x1024xf32>,
    %get3A_297 = arith.constant 0 : index
    %get3A_298 = arith.constant 896 : index
    %get3A_299 = arith.constant 0 : index
    %get3A_300 = vector.load %arg1[%get3A_297, %get3A_298, %get3A_299] : memref<1x1024x3xf32, #tpu.memory_space<vmem>>, vector<1x128x1xf32>
    %get3A_301 = vector.shape_cast %get3A_300 : vector<1x128x1xf32> to vector<128x1xf32>
    %get3A_302 = arith.constant 0 : index
    %get3A_303 = arith.constant 896 : index
    %get3A_304 = arith.constant 1 : index
    %get3A_305 = vector.load %arg1[%get3A_302, %get3A_303, %get3A_304] : memref<1x1024x3xf32, #tpu.memory_space<vmem>>, vector<1x128x1xf32>
    %get3A_306 = vector.shape_cast %get3A_305 : vector<1x128x1xf32> to vector<128x1xf32>
    %get3A_307 = arith.constant 0 : index
    %get3A_308 = arith.constant 896 : index
    %get3A_309 = arith.constant 2 : index
    %get3A_310 = vector.load %arg1[%get3A_307, %get3A_308, %get3A_309] : memref<1x1024x3xf32, #tpu.memory_space<vmem>>, vector<1x128x1xf32>
    %get3A_311 = vector.shape_cast %get3A_310 : vector<1x128x1xf32> to vector<128x1xf32>
    %iota3A_312 = tpu.iota {dimensions = array<i32: 0>} : vector<128x1024xi32>
    %add3A_313 = arith.constant 896 : i32
    %add3A_314 = vector.broadcast %add3A_313 : i32 to vector<128x1024xi32>
    %add3A_315 = arith.addi %iota3A_312, %add3A_314 : vector<128x1024xi32>
    %iota3A_316 = tpu.iota {dimensions = array<i32: 1>} : vector<128x1024xi32>
    %sub3A_317 = vector.broadcast %get3A_301 : vector<128x1xf32> to vector<128x1024xf32>
    %sub3A_318 = vector.broadcast %reshape3A : vector<1x1024xf32> to vector<128x1024xf32>
    %sub3A_319 = arith.subf %sub3A_317, %sub3A_318 : vector<128x1024xf32>
    %integer_pow3A_320 = arith.mulf %sub3A_319, %sub3A_319 : vector<128x1024xf32>
    %sub3A_321 = vector.broadcast %get3A_311 : vector<128x1xf32> to vector<128x1024xf32>
    %sub3A_322 = vector.broadcast %reshape3A_18 : vector<1x1024xf32> to vector<128x1024xf32>
    %sub3A_323 = arith.subf %sub3A_321, %sub3A_322 : vector<128x1024xf32>
    %integer_pow3A_324 = arith.mulf %sub3A_323, %sub3A_323 : vector<128x1024xf32>
    %add3A_325 = arith.addf %integer_pow3A_320, %integer_pow3A_324 : vector<128x1024xf32>
    %sub3A_326 = vector.broadcast %get3A_306 : vector<128x1xf32> to vector<128x1024xf32>
    %sub3A_327 = vector.broadcast %reshape3A_11 : vector<1x1024xf32> to vector<128x1024xf32>
    %sub3A_328 = arith.subf %sub3A_326, %sub3A_327 : vector<128x1024xf32>
    %integer_pow3A_329 = arith.mulf %sub3A_328, %sub3A_328 : vector<128x1024xf32>
    %add3A_330 = arith.addf %add3A_325, %integer_pow3A_329 : vector<128x1024xf32>
    %eq3A_331 = arith.cmpi eq, %add3A_315, %iota3A_316 : vector<128x1024xi32>
    %jit3A_332 = arith.constant 1.000000e+30 : f32
    %broadcast_in_dim3A_333 = vector.broadcast %jit3A_332 : f32 to vector<128x1024xf32>
    %select_n3A_334 = arith.select %eq3A_331, %broadcast_in_dim3A_333, %add3A_330 : vector<128x1024xi1>, vector<128x1024xf32>
    %swap3A_335 = arith.constant 896 : index
    %swap3A_336 = arith.constant 0 : index
    %swap3A_337 = vector.load %arg4[%swap3A_335, %swap3A_336] : memref<1024x1024xf32, #tpu.memory_space<vmem>>, vector<128x1024xf32>
    tpu.vector_store %arg4[%swap3A_335, %swap3A_336], %select_n3A_334 {strides = array<i32>} : memref<1024x1024xf32, #tpu.memory_space<vmem>>, vector<128x1024xf32>,
    %scan3A = arith.constant 0 : i32
    %scan3A_338 = arith.constant 32 : i32
    %scan3A_339 = arith.addi %scan3A, %scan3A_338 : i32
    %scan3A_340 = arith.constant 1 : i32
    scf.for %scan3A_342 = %scan3A to %scan3A_339 step %scan3A_340  : i32 {
      %broadcast_in_dim3A_343 = arith.constant 1.000000e+30 : f32
      %broadcast_in_dim3A_344 = vector.broadcast %broadcast_in_dim3A_343 : f32 to vector<1x1024xf32>
      %scan3A_345 = arith.constant 0 : i32
      %scan3A_346 = arith.constant 8 : i32
      %scan3A_347 = arith.addi %scan3A_345, %scan3A_346 : i32
      %scan3A_348 = arith.constant 1 : i32
      %scan3A_349 = scf.for %scan3A_365 = %scan3A_345 to %scan3A_347 step %scan3A_348 iter_args(%scan3A_366 = %broadcast_in_dim3A_344) -> (vector<1x1024xf32>)  : i32 {
        %mul3A = arith.constant 128 : i32
        %mul3A_367 = arith.muli %scan3A_365, %mul3A : i32
        %get3A_368 = arith.index_cast %mul3A_367 : i32 to index
        %get3A_369 = arith.constant 0 : index
        %get3A_370 = vector.load %arg4[%get3A_368, %get3A_369] : memref<1024x1024xf32, #tpu.memory_space<vmem>>, vector<128x1024xf32>
        %reduce_min3A = arith.constant dense<0x7F800000> : vector<1024xf32>
        %reduce_min3A_371 = vector.multi_reduction <minimumf>, %get3A_370, %reduce_min3A [0] : vector<128x1024xf32> to vector<1024xf32>
        %broadcast_in_dim3A_372 = vector.shape_cast %reduce_min3A_371 : vector<1024xf32> to vector<1x1024xf32>
        %min3A = arith.minimumf %scan3A_366, %broadcast_in_dim3A_372 : vector<1x1024xf32>
        scf.yield %min3A : vector<1x1024xf32>
      }
      %scan3A_350 = arith.constant 8 : i32
      %broadcast_in_dim3A_351 = arith.constant 4096 : i32
      %broadcast_in_dim3A_352 = vector.broadcast %broadcast_in_dim3A_351 : i32 to vector<1x1024xi32>
      %scan3A_353 = arith.constant 0 : i32
      %scan3A_354 = arith.constant 8 : i32
      %scan3A_355 = arith.addi %scan3A_353, %scan3A_354 : i32
      %scan3A_356 = arith.constant 1 : i32
      %scan3A_357 = scf.for %scan3A_365 = %scan3A_353 to %scan3A_355 step %scan3A_356 iter_args(%scan3A_366 = %broadcast_in_dim3A_352) -> (vector<1x1024xi32>)  : i32 {
        %mul3A = arith.constant 128 : i32
        %mul3A_367 = arith.muli %scan3A_365, %mul3A : i32
        %get3A_368 = arith.index_cast %mul3A_367 : i32 to index
        %get3A_369 = arith.constant 0 : index
        %get3A_370 = vector.load %arg4[%get3A_368, %get3A_369] : memref<1024x1024xf32, #tpu.memory_space<vmem>>, vector<128x1024xf32>
        %iota3A_371 = tpu.iota {dimensions = array<i32: 0>} : vector<128x1024xi32>
        %mul3A_372 = arith.constant 128 : i32
        %mul3A_373 = arith.muli %scan3A_365, %mul3A_372 : i32
        %add3A_374 = vector.broadcast %mul3A_373 : i32 to vector<128x1024xi32>
        %add3A_375 = arith.addi %iota3A_371, %add3A_374 : vector<128x1024xi32>
        %eq3A_376 = vector.broadcast %scan3A_349 : vector<1x1024xf32> to vector<128x1024xf32>
        %eq3A_377 = arith.cmpf oeq, %get3A_370, %eq3A_376 : vector<128x1024xf32>
        %jit3A_378 = arith.constant 1.000000e+30 : f32
        %broadcast_in_dim3A_379 = vector.broadcast %jit3A_378 : f32 to vector<128x1024xf32>
        %select_n3A_380 = arith.select %eq3A_377, %broadcast_in_dim3A_379, %get3A_370 : vector<128x1024xi1>, vector<128x1024xf32>
        %mul3A_381 = arith.constant 128 : i32
        %mul3A_382 = arith.muli %scan3A_365, %mul3A_381 : i32
        %swap3A_383 = arith.index_cast %mul3A_382 : i32 to index
        %swap3A_384 = arith.constant 0 : index
        %swap3A_385 = vector.load %arg4[%swap3A_383, %swap3A_384] : memref<1024x1024xf32, #tpu.memory_space<vmem>>, vector<128x1024xf32>
        tpu.vector_store %arg4[%swap3A_383, %swap3A_384], %select_n3A_380 {strides = array<i32>} : memref<1024x1024xf32, #tpu.memory_space<vmem>>, vector<128x1024xf32>,
        %jit3A_386 = arith.constant 4096 : i32
        %broadcast_in_dim3A_387 = vector.broadcast %jit3A_386 : i32 to vector<128x1024xi32>
        %select_n3A_388 = arith.select %eq3A_377, %add3A_375, %broadcast_in_dim3A_387 : vector<128x1024xi1>, vector<128x1024xi32>
        %reduce_min3A = arith.constant dense<2147483647> : vector<1024xi32>
        %reduce_min3A_389 = vector.multi_reduction <minsi>, %select_n3A_388, %reduce_min3A [0] : vector<128x1024xi32> to vector<1024xi32>
        %broadcast_in_dim3A_390 = vector.shape_cast %reduce_min3A_389 : vector<1024xi32> to vector<1x1024xi32>
        %min3A = arith.minsi %scan3A_366, %broadcast_in_dim3A_390 : vector<1x1024xi32>
        scf.yield %min3A : vector<1x1024xi32>
      }
      %scan3A_358 = arith.constant 8 : i32
      %swap3A_359 = arith.constant 0 : index
      %swap3A_360 = arith.index_cast %scan3A_342 : i32 to index
      %swap3A_361 = arith.constant 0 : index
      %swap3A_362 = vector.load %arg3[%swap3A_359, %swap3A_360, %swap3A_361] : memref<1x32x1024xi32, #tpu.memory_space<vmem>>, vector<1x1x1024xi32>
      %swap3A_363 = vector.shape_cast %swap3A_362 : vector<1x1x1024xi32> to vector<1x1024xi32>
      %swap3A_364 = vector.shape_cast %scan3A_357 : vector<1x1024xi32> to vector<1x1x1024xi32>
      tpu.vector_store %arg3[%swap3A_359, %swap3A_360, %swap3A_361], %swap3A_364 {strides = array<i32>} : memref<1x32x1024xi32, #tpu.memory_space<vmem>>, vector<1x1x1024xi32>,
    }
    %scan3A_341 = arith.constant 32 : i32
    return
  }
  func.func @transform_0(%arg0: i32) -> (i32, i32, i32) {
    %c0_i32 = arith.constant 0 : i32
    %c0_i32_0 = arith.constant 0 : i32
    %c0_i32_1 = arith.constant 0 : i32
    return %arg0, %c0_i32, %c0_i32_0 : i32, i32, i32
  }
  func.func @transform_1(%arg0: i32) -> (i32, i32, i32, i32) {
    %c0_i32 = arith.constant 0 : i32
    %c0_i32_0 = arith.constant 0 : i32
    %c0_i32_1 = arith.constant 0 : i32
    %c0_i32_2 = arith.constant 0 : i32
    return %c0_i32, %arg0, %c0_i32_0, %c0_i32_1 : i32, i32, i32, i32
  }
  func.func @transform_2(%arg0: i32) -> (i32, i32, i32) {
    %c0_i32 = arith.constant 0 : i32
    %c0_i32_0 = arith.constant 0 : i32
    %c0_i32_1 = arith.constant 0 : i32
    return %arg0, %c0_i32, %c0_i32_0 : i32, i32, i32
  }
}

module attributes {stable_mosaic.version = 14 : i64} {
  func.func @_stats0_body(%arg0: i32, %arg1: memref<3x4096xf32, #tpu.memory_space<vmem>>, %arg2: memref<3x1xf32, #tpu.memory_space<vmem>>, %arg3: memref<3x3xf32, #tpu.memory_space<vmem>>, %arg4: memref<3x1xf32, #tpu.memory_space<vmem>>, %arg5: memref<3x3xf32, #tpu.memory_space<vmem>>) attributes {dimension_semantics = [#tpu.dimension_semantics<arbitrary>], iteration_bounds = array<i64: 64>, scalar_prefetch = 0 : i64, scratch_operands = 2 : i64, tpu.core_type = #tpu.core_type<tc>, window_params = [{transform_indices = @transform_0, window_bounds = array<i64: 3, 4096>}, {pipeline_mode = #tpu.pipeline_mode<synchronous>, transform_indices = @transform_1, window_bounds = array<i64: 3, 1>}, {pipeline_mode = #tpu.pipeline_mode<synchronous>, transform_indices = @transform_2, window_bounds = array<i64: 3, 3>}]} {
    %eq3A = arith.constant 0 : i32
    %eq3A_0 = arith.cmpi eq, %arg0, %eq3A : i32
    %convert_element_type3A = arith.extui %eq3A_0 : i1 to i32
    %cond3A = arith.constant 0 : i32
    %cond3A_1 = arith.cmpi ne, %convert_element_type3A, %cond3A : i32
    scf.if %cond3A_1 {
      %broadcast_in_dim3A_23 = arith.constant 0.000000e+00 : f32
      %broadcast_in_dim3A_24 = vector.broadcast %broadcast_in_dim3A_23 : f32 to vector<3x1xf32>
      %swap3A_25 = arith.constant 0 : index
      %swap3A_26 = arith.constant 0 : index
      %swap3A_27 = vector.load %arg4[%swap3A_25, %swap3A_26] : memref<3x1xf32, #tpu.memory_space<vmem>>, vector<3x1xf32>
      tpu.vector_store %arg4[%swap3A_25, %swap3A_26], %broadcast_in_dim3A_24 {strides = array<i32>} : memref<3x1xf32, #tpu.memory_space<vmem>>, vector<3x1xf32>,
      %broadcast_in_dim3A_28 = arith.constant 0.000000e+00 : f32
      %broadcast_in_dim3A_29 = vector.broadcast %broadcast_in_dim3A_28 : f32 to vector<3x3xf32>
      %swap3A_30 = arith.constant 0 : index
      %swap3A_31 = arith.constant 0 : index
      %swap3A_32 = vector.load %arg5[%swap3A_30, %swap3A_31] : memref<3x3xf32, #tpu.memory_space<vmem>>, vector<3x3xf32>
      tpu.vector_store %arg5[%swap3A_30, %swap3A_31], %broadcast_in_dim3A_29 {strides = array<i32>} : memref<3x3xf32, #tpu.memory_space<vmem>>, vector<3x3xf32>,
    } else {
    }
    %get3A = arith.constant 0 : index
    %get3A_2 = arith.constant 0 : index
    %get3A_3 = vector.load %arg1[%get3A, %get3A_2] : memref<3x4096xf32, #tpu.memory_space<vmem>>, vector<3x4096xf32>
    %get3A_4 = arith.constant 0 : index
    %get3A_5 = arith.constant 0 : index
    %get3A_6 = vector.load %arg4[%get3A_4, %get3A_5] : memref<3x1xf32, #tpu.memory_space<vmem>>, vector<3x1xf32>
    %reduce_sum3A = arith.constant dense<0.000000e+00> : vector<3xf32>
    %reduce_sum3A_7 = vector.multi_reduction <add>, %get3A_3, %reduce_sum3A [1] : vector<3x4096xf32> to vector<3xf32>
    %broadcast_in_dim3A = vector.shape_cast %reduce_sum3A_7 : vector<3xf32> to vector<3x1xf32>
    %add3A = arith.addf %get3A_6, %broadcast_in_dim3A : vector<3x1xf32>
    %swap3A = arith.constant 0 : index
    %swap3A_8 = arith.constant 0 : index
    %swap3A_9 = vector.load %arg4[%swap3A, %swap3A_8] : memref<3x1xf32, #tpu.memory_space<vmem>>, vector<3x1xf32>
    tpu.vector_store %arg4[%swap3A, %swap3A_8], %add3A {strides = array<i32>} : memref<3x1xf32, #tpu.memory_space<vmem>>, vector<3x1xf32>,
    %get3A_10 = arith.constant 0 : index
    %get3A_11 = arith.constant 0 : index
    %get3A_12 = vector.load %arg5[%get3A_10, %get3A_11] : memref<3x3xf32, #tpu.memory_space<vmem>>, vector<3x3xf32>
    %dot_general3A = arith.constant dense<0.000000e+00> : vector<3x3xf32>
    %dot_general3A_13 = tpu.matmul %get3A_3, %get3A_3, %dot_general3A {dimension_numbers = #tpu.dot_dimension_numbers<[1], [1], [0], [0], [0, 0, 1, 0], [], []>, transpose_lhs_hint = false} : vector<3x4096xf32>, vector<3x4096xf32>, vector<3x3xf32> -> vector<3x3xf32>
    %add3A_14 = arith.addf %get3A_12, %dot_general3A_13 : vector<3x3xf32>
    %swap3A_15 = arith.constant 0 : index
    %swap3A_16 = arith.constant 0 : index
    %swap3A_17 = vector.load %arg5[%swap3A_15, %swap3A_16] : memref<3x3xf32, #tpu.memory_space<vmem>>, vector<3x3xf32>
    tpu.vector_store %arg5[%swap3A_15, %swap3A_16], %add3A_14 {strides = array<i32>} : memref<3x3xf32, #tpu.memory_space<vmem>>, vector<3x3xf32>,
    %eq3A_18 = arith.constant 63 : i32
    %eq3A_19 = arith.cmpi eq, %arg0, %eq3A_18 : i32
    %convert_element_type3A_20 = arith.extui %eq3A_19 : i1 to i32
    %cond3A_21 = arith.constant 0 : i32
    %cond3A_22 = arith.cmpi ne, %convert_element_type3A_20, %cond3A_21 : i32
    scf.if %cond3A_22 {
      %get3A_23 = arith.constant 0 : index
      %get3A_24 = arith.constant 0 : index
      %get3A_25 = vector.load %arg4[%get3A_23, %get3A_24] : memref<3x1xf32, #tpu.memory_space<vmem>>, vector<3x1xf32>
      %swap3A_26 = arith.constant 0 : index
      %swap3A_27 = arith.constant 0 : index
      %swap3A_28 = vector.load %arg2[%swap3A_26, %swap3A_27] : memref<3x1xf32, #tpu.memory_space<vmem>>, vector<3x1xf32>
      tpu.vector_store %arg2[%swap3A_26, %swap3A_27], %get3A_25 {strides = array<i32>} : memref<3x1xf32, #tpu.memory_space<vmem>>, vector<3x1xf32>,
      %get3A_29 = arith.constant 0 : index
      %get3A_30 = arith.constant 0 : index
      %get3A_31 = vector.load %arg5[%get3A_29, %get3A_30] : memref<3x3xf32, #tpu.memory_space<vmem>>, vector<3x3xf32>
      %swap3A_32 = arith.constant 0 : index
      %swap3A_33 = arith.constant 0 : index
      %swap3A_34 = vector.load %arg3[%swap3A_32, %swap3A_33] : memref<3x3xf32, #tpu.memory_space<vmem>>, vector<3x3xf32>
      tpu.vector_store %arg3[%swap3A_32, %swap3A_33], %get3A_31 {strides = array<i32>} : memref<3x3xf32, #tpu.memory_space<vmem>>, vector<3x3xf32>,
    } else {
    }
    return
  }
  func.func @transform_0(%arg0: i32) -> (i32, i32) {
    %c0_i32 = arith.constant 0 : i32
    %c0_i32_0 = arith.constant 0 : i32
    return %c0_i32, %arg0 : i32, i32
  }
  func.func @transform_1(%arg0: i32) -> (i32, i32) {
    %c0_i32 = arith.constant 0 : i32
    %c0_i32_0 = arith.constant 0 : i32
    %c0_i32_1 = arith.constant 0 : i32
    return %c0_i32, %c0_i32_0 : i32, i32
  }
  func.func @transform_2(%arg0: i32) -> (i32, i32) {
    %c0_i32 = arith.constant 0 : i32
    %c0_i32_0 = arith.constant 0 : i32
    %c0_i32_1 = arith.constant 0 : i32
    return %c0_i32, %c0_i32_0 : i32, i32
  }
}

module attributes {stable_mosaic.version = 14 : i64} {
  func.func @_layer_body(%arg0: i32, %arg1: memref<3x4096xf32, #tpu.memory_space<vmem>>, %arg2: memref<64x3xf32, #tpu.memory_space<vmem>>, %arg3: memref<64x1xf32, #tpu.memory_space<vmem>>, %arg4: memref<64x4096xf32, #tpu.memory_space<vmem>>, %arg5: memref<64x1xf32, #tpu.memory_space<vmem>>, %arg6: memref<64x64xf32, #tpu.memory_space<vmem>>, %arg7: memref<64x1xf32, #tpu.memory_space<vmem>>, %arg8: memref<64x64xf32, #tpu.memory_space<vmem>>) attributes {dimension_semantics = [#tpu.dimension_semantics<arbitrary>], iteration_bounds = array<i64: 64>, scalar_prefetch = 0 : i64, scratch_operands = 2 : i64, tpu.core_type = #tpu.core_type<tc>, window_params = [{transform_indices = @transform_0, window_bounds = array<i64: 3, 4096>}, {pipeline_mode = #tpu.pipeline_mode<synchronous>, transform_indices = @transform_1, window_bounds = array<i64: 64, 3>}, {pipeline_mode = #tpu.pipeline_mode<synchronous>, transform_indices = @transform_2, window_bounds = array<i64: 64, 1>}, {transform_indices = @transform_3, window_bounds = array<i64: 64, 4096>}, {pipeline_mode = #tpu.pipeline_mode<synchronous>, transform_indices = @transform_4, window_bounds = array<i64: 64, 1>}, {pipeline_mode = #tpu.pipeline_mode<synchronous>, transform_indices = @transform_5, window_bounds = array<i64: 64, 64>}]} {
    %eq3A = arith.constant 0 : i32
    %eq3A_0 = arith.cmpi eq, %arg0, %eq3A : i32
    %convert_element_type3A = arith.extui %eq3A_0 : i1 to i32
    %cond3A = arith.constant 0 : i32
    %cond3A_1 = arith.cmpi ne, %convert_element_type3A, %cond3A : i32
    scf.if %cond3A_1 {
      %broadcast_in_dim3A_38 = arith.constant 0.000000e+00 : f32
      %broadcast_in_dim3A_39 = vector.broadcast %broadcast_in_dim3A_38 : f32 to vector<64x1xf32>
      %swap3A_40 = arith.constant 0 : index
      %swap3A_41 = arith.constant 0 : index
      %swap3A_42 = vector.load %arg7[%swap3A_40, %swap3A_41] : memref<64x1xf32, #tpu.memory_space<vmem>>, vector<64x1xf32>
      tpu.vector_store %arg7[%swap3A_40, %swap3A_41], %broadcast_in_dim3A_39 {strides = array<i32>} : memref<64x1xf32, #tpu.memory_space<vmem>>, vector<64x1xf32>,
      %broadcast_in_dim3A_43 = arith.constant 0.000000e+00 : f32
      %broadcast_in_dim3A_44 = vector.broadcast %broadcast_in_dim3A_43 : f32 to vector<64x64xf32>
      %swap3A_45 = arith.constant 0 : index
      %swap3A_46 = arith.constant 0 : index
      %swap3A_47 = vector.load %arg8[%swap3A_45, %swap3A_46] : memref<64x64xf32, #tpu.memory_space<vmem>>, vector<64x64xf32>
      tpu.vector_store %arg8[%swap3A_45, %swap3A_46], %broadcast_in_dim3A_44 {strides = array<i32>} : memref<64x64xf32, #tpu.memory_space<vmem>>, vector<64x64xf32>,
    } else {
    }
    %get3A = arith.constant 0 : index
    %get3A_2 = arith.constant 0 : index
    %get3A_3 = vector.load %arg1[%get3A, %get3A_2] : memref<3x4096xf32, #tpu.memory_space<vmem>>, vector<3x4096xf32>
    %get3A_4 = arith.constant 0 : index
    %get3A_5 = arith.constant 0 : index
    %get3A_6 = vector.load %arg2[%get3A_4, %get3A_5] : memref<64x3xf32, #tpu.memory_space<vmem>>, vector<64x3xf32>
    %dot_general3A = arith.constant dense<0.000000e+00> : vector<64x4096xf32>
    %dot_general3A_7 = tpu.matmul %get3A_6, %get3A_3, %dot_general3A {dimension_numbers = #tpu.dot_dimension_numbers<[1], [0], [0], [1], [0, 0, 1, 1], [], []>, transpose_lhs_hint = false} : vector<64x3xf32>, vector<3x4096xf32>, vector<64x4096xf32> -> vector<64x4096xf32>
    %get3A_8 = arith.constant 0 : index
    %get3A_9 = arith.constant 0 : index
    %get3A_10 = vector.load %arg3[%get3A_8, %get3A_9] : memref<64x1xf32, #tpu.memory_space<vmem>>, vector<64x1xf32>
    %add3A = vector.broadcast %get3A_10 : vector<64x1xf32> to vector<64x4096xf32>
    %add3A_11 = arith.addf %dot_general3A_7, %add3A : vector<64x4096xf32>
    %max3A = arith.constant 0.000000e+00 : f32
    %max3A_12 = vector.broadcast %max3A : f32 to vector<64x4096xf32>
    %max3A_13 = arith.maximumf %add3A_11, %max3A_12 : vector<64x4096xf32>
    %swap3A = arith.constant 0 : index
    %swap3A_14 = arith.constant 0 : index
    %swap3A_15 = vector.load %arg4[%swap3A, %swap3A_14] : memref<64x4096xf32, #tpu.memory_space<vmem>>, vector<64x4096xf32>
    tpu.vector_store %arg4[%swap3A, %swap3A_14], %max3A_13 {strides = array<i32>} : memref<64x4096xf32, #tpu.memory_space<vmem>>, vector<64x4096xf32>,
    %get3A_16 = arith.constant 0 : index
    %get3A_17 = arith.constant 0 : index
    %get3A_18 = vector.load %arg7[%get3A_16, %get3A_17] : memref<64x1xf32, #tpu.memory_space<vmem>>, vector<64x1xf32>
    %reduce_sum3A = arith.constant dense<0.000000e+00> : vector<64xf32>
    %reduce_sum3A_19 = vector.multi_reduction <add>, %max3A_13, %reduce_sum3A [1] : vector<64x4096xf32> to vector<64xf32>
    %broadcast_in_dim3A = vector.shape_cast %reduce_sum3A_19 : vector<64xf32> to vector<64x1xf32>
    %add3A_20 = arith.addf %get3A_18, %broadcast_in_dim3A : vector<64x1xf32>
    %swap3A_21 = arith.constant 0 : index
    %swap3A_22 = arith.constant 0 : index
    %swap3A_23 = vector.load %arg7[%swap3A_21, %swap3A_22] : memref<64x1xf32, #tpu.memory_space<vmem>>, vector<64x1xf32>
    tpu.vector_store %arg7[%swap3A_21, %swap3A_22], %add3A_20 {strides = array<i32>} : memref<64x1xf32, #tpu.memory_space<vmem>>, vector<64x1xf32>,
    %get3A_24 = arith.constant 0 : index
    %get3A_25 = arith.constant 0 : index
    %get3A_26 = vector.load %arg8[%get3A_24, %get3A_25] : memref<64x64xf32, #tpu.memory_space<vmem>>, vector<64x64xf32>
    %dot_general3A_27 = arith.constant dense<0.000000e+00> : vector<64x64xf32>
    %dot_general3A_28 = tpu.matmul %max3A_13, %max3A_13, %dot_general3A_27 {dimension_numbers = #tpu.dot_dimension_numbers<[1], [1], [0], [0], [0, 0, 1, 0], [], []>, transpose_lhs_hint = false} : vector<64x4096xf32>, vector<64x4096xf32>, vector<64x64xf32> -> vector<64x64xf32>
    %add3A_29 = arith.addf %get3A_26, %dot_general3A_28 : vector<64x64xf32>
    %swap3A_30 = arith.constant 0 : index
    %swap3A_31 = arith.constant 0 : index
    %swap3A_32 = vector.load %arg8[%swap3A_30, %swap3A_31] : memref<64x64xf32, #tpu.memory_space<vmem>>, vector<64x64xf32>
    tpu.vector_store %arg8[%swap3A_30, %swap3A_31], %add3A_29 {strides = array<i32>} : memref<64x64xf32, #tpu.memory_space<vmem>>, vector<64x64xf32>,
    %eq3A_33 = arith.constant 63 : i32
    %eq3A_34 = arith.cmpi eq, %arg0, %eq3A_33 : i32
    %convert_element_type3A_35 = arith.extui %eq3A_34 : i1 to i32
    %cond3A_36 = arith.constant 0 : i32
    %cond3A_37 = arith.cmpi ne, %convert_element_type3A_35, %cond3A_36 : i32
    scf.if %cond3A_37 {
      %get3A_38 = arith.constant 0 : index
      %get3A_39 = arith.constant 0 : index
      %get3A_40 = vector.load %arg7[%get3A_38, %get3A_39] : memref<64x1xf32, #tpu.memory_space<vmem>>, vector<64x1xf32>
      %swap3A_41 = arith.constant 0 : index
      %swap3A_42 = arith.constant 0 : index
      %swap3A_43 = vector.load %arg5[%swap3A_41, %swap3A_42] : memref<64x1xf32, #tpu.memory_space<vmem>>, vector<64x1xf32>
      tpu.vector_store %arg5[%swap3A_41, %swap3A_42], %get3A_40 {strides = array<i32>} : memref<64x1xf32, #tpu.memory_space<vmem>>, vector<64x1xf32>,
      %get3A_44 = arith.constant 0 : index
      %get3A_45 = arith.constant 0 : index
      %get3A_46 = vector.load %arg8[%get3A_44, %get3A_45] : memref<64x64xf32, #tpu.memory_space<vmem>>, vector<64x64xf32>
      %swap3A_47 = arith.constant 0 : index
      %swap3A_48 = arith.constant 0 : index
      %swap3A_49 = vector.load %arg6[%swap3A_47, %swap3A_48] : memref<64x64xf32, #tpu.memory_space<vmem>>, vector<64x64xf32>
      tpu.vector_store %arg6[%swap3A_47, %swap3A_48], %get3A_46 {strides = array<i32>} : memref<64x64xf32, #tpu.memory_space<vmem>>, vector<64x64xf32>,
    } else {
    }
    return
  }
  func.func @transform_0(%arg0: i32) -> (i32, i32) {
    %c0_i32 = arith.constant 0 : i32
    %c0_i32_0 = arith.constant 0 : i32
    return %c0_i32, %arg0 : i32, i32
  }
  func.func @transform_1(%arg0: i32) -> (i32, i32) {
    %c0_i32 = arith.constant 0 : i32
    %c0_i32_0 = arith.constant 0 : i32
    %c0_i32_1 = arith.constant 0 : i32
    return %c0_i32, %c0_i32_0 : i32, i32
  }
  func.func @transform_2(%arg0: i32) -> (i32, i32) {
    %c0_i32 = arith.constant 0 : i32
    %c0_i32_0 = arith.constant 0 : i32
    %c0_i32_1 = arith.constant 0 : i32
    return %c0_i32, %c0_i32_0 : i32, i32
  }
  func.func @transform_3(%arg0: i32) -> (i32, i32) {
    %c0_i32 = arith.constant 0 : i32
    %c0_i32_0 = arith.constant 0 : i32
    return %c0_i32, %arg0 : i32, i32
  }
  func.func @transform_4(%arg0: i32) -> (i32, i32) {
    %c0_i32 = arith.constant 0 : i32
    %c0_i32_0 = arith.constant 0 : i32
    %c0_i32_1 = arith.constant 0 : i32
    return %c0_i32, %c0_i32_0 : i32, i32
  }
  func.func @transform_5(%arg0: i32) -> (i32, i32) {
    %c0_i32 = arith.constant 0 : i32
    %c0_i32_0 = arith.constant 0 : i32
    %c0_i32_1 = arith.constant 0 : i32
    return %c0_i32, %c0_i32_0 : i32, i32
  }
}

module attributes {stable_mosaic.version = 14 : i64} {
  func.func @_layer_body(%arg0: i32, %arg1: memref<64x4096xf32, #tpu.memory_space<vmem>>, %arg2: memref<64x64xf32, #tpu.memory_space<vmem>>, %arg3: memref<64x1xf32, #tpu.memory_space<vmem>>, %arg4: memref<64x4096xf32, #tpu.memory_space<vmem>>, %arg5: memref<64x1xf32, #tpu.memory_space<vmem>>, %arg6: memref<64x64xf32, #tpu.memory_space<vmem>>, %arg7: memref<64x1xf32, #tpu.memory_space<vmem>>, %arg8: memref<64x64xf32, #tpu.memory_space<vmem>>) attributes {dimension_semantics = [#tpu.dimension_semantics<arbitrary>], iteration_bounds = array<i64: 64>, scalar_prefetch = 0 : i64, scratch_operands = 2 : i64, tpu.core_type = #tpu.core_type<tc>, window_params = [{transform_indices = @transform_0, window_bounds = array<i64: 64, 4096>}, {pipeline_mode = #tpu.pipeline_mode<synchronous>, transform_indices = @transform_1, window_bounds = array<i64: 64, 64>}, {pipeline_mode = #tpu.pipeline_mode<synchronous>, transform_indices = @transform_2, window_bounds = array<i64: 64, 1>}, {transform_indices = @transform_3, window_bounds = array<i64: 64, 4096>}, {pipeline_mode = #tpu.pipeline_mode<synchronous>, transform_indices = @transform_4, window_bounds = array<i64: 64, 1>}, {pipeline_mode = #tpu.pipeline_mode<synchronous>, transform_indices = @transform_5, window_bounds = array<i64: 64, 64>}]} {
    %eq3A = arith.constant 0 : i32
    %eq3A_0 = arith.cmpi eq, %arg0, %eq3A : i32
    %convert_element_type3A = arith.extui %eq3A_0 : i1 to i32
    %cond3A = arith.constant 0 : i32
    %cond3A_1 = arith.cmpi ne, %convert_element_type3A, %cond3A : i32
    scf.if %cond3A_1 {
      %broadcast_in_dim3A_38 = arith.constant 0.000000e+00 : f32
      %broadcast_in_dim3A_39 = vector.broadcast %broadcast_in_dim3A_38 : f32 to vector<64x1xf32>
      %swap3A_40 = arith.constant 0 : index
      %swap3A_41 = arith.constant 0 : index
      %swap3A_42 = vector.load %arg7[%swap3A_40, %swap3A_41] : memref<64x1xf32, #tpu.memory_space<vmem>>, vector<64x1xf32>
      tpu.vector_store %arg7[%swap3A_40, %swap3A_41], %broadcast_in_dim3A_39 {strides = array<i32>} : memref<64x1xf32, #tpu.memory_space<vmem>>, vector<64x1xf32>,
      %broadcast_in_dim3A_43 = arith.constant 0.000000e+00 : f32
      %broadcast_in_dim3A_44 = vector.broadcast %broadcast_in_dim3A_43 : f32 to vector<64x64xf32>
      %swap3A_45 = arith.constant 0 : index
      %swap3A_46 = arith.constant 0 : index
      %swap3A_47 = vector.load %arg8[%swap3A_45, %swap3A_46] : memref<64x64xf32, #tpu.memory_space<vmem>>, vector<64x64xf32>
      tpu.vector_store %arg8[%swap3A_45, %swap3A_46], %broadcast_in_dim3A_44 {strides = array<i32>} : memref<64x64xf32, #tpu.memory_space<vmem>>, vector<64x64xf32>,
    } else {
    }
    %get3A = arith.constant 0 : index
    %get3A_2 = arith.constant 0 : index
    %get3A_3 = vector.load %arg1[%get3A, %get3A_2] : memref<64x4096xf32, #tpu.memory_space<vmem>>, vector<64x4096xf32>
    %get3A_4 = arith.constant 0 : index
    %get3A_5 = arith.constant 0 : index
    %get3A_6 = vector.load %arg2[%get3A_4, %get3A_5] : memref<64x64xf32, #tpu.memory_space<vmem>>, vector<64x64xf32>
    %dot_general3A = arith.constant dense<0.000000e+00> : vector<64x4096xf32>
    %dot_general3A_7 = tpu.matmul %get3A_6, %get3A_3, %dot_general3A {dimension_numbers = #tpu.dot_dimension_numbers<[1], [0], [0], [1], [0, 0, 1, 1], [], []>, transpose_lhs_hint = false} : vector<64x64xf32>, vector<64x4096xf32>, vector<64x4096xf32> -> vector<64x4096xf32>
    %get3A_8 = arith.constant 0 : index
    %get3A_9 = arith.constant 0 : index
    %get3A_10 = vector.load %arg3[%get3A_8, %get3A_9] : memref<64x1xf32, #tpu.memory_space<vmem>>, vector<64x1xf32>
    %add3A = vector.broadcast %get3A_10 : vector<64x1xf32> to vector<64x4096xf32>
    %add3A_11 = arith.addf %dot_general3A_7, %add3A : vector<64x4096xf32>
    %max3A = arith.constant 0.000000e+00 : f32
    %max3A_12 = vector.broadcast %max3A : f32 to vector<64x4096xf32>
    %max3A_13 = arith.maximumf %add3A_11, %max3A_12 : vector<64x4096xf32>
    %swap3A = arith.constant 0 : index
    %swap3A_14 = arith.constant 0 : index
    %swap3A_15 = vector.load %arg4[%swap3A, %swap3A_14] : memref<64x4096xf32, #tpu.memory_space<vmem>>, vector<64x4096xf32>
    tpu.vector_store %arg4[%swap3A, %swap3A_14], %max3A_13 {strides = array<i32>} : memref<64x4096xf32, #tpu.memory_space<vmem>>, vector<64x4096xf32>,
    %get3A_16 = arith.constant 0 : index
    %get3A_17 = arith.constant 0 : index
    %get3A_18 = vector.load %arg7[%get3A_16, %get3A_17] : memref<64x1xf32, #tpu.memory_space<vmem>>, vector<64x1xf32>
    %reduce_sum3A = arith.constant dense<0.000000e+00> : vector<64xf32>
    %reduce_sum3A_19 = vector.multi_reduction <add>, %max3A_13, %reduce_sum3A [1] : vector<64x4096xf32> to vector<64xf32>
    %broadcast_in_dim3A = vector.shape_cast %reduce_sum3A_19 : vector<64xf32> to vector<64x1xf32>
    %add3A_20 = arith.addf %get3A_18, %broadcast_in_dim3A : vector<64x1xf32>
    %swap3A_21 = arith.constant 0 : index
    %swap3A_22 = arith.constant 0 : index
    %swap3A_23 = vector.load %arg7[%swap3A_21, %swap3A_22] : memref<64x1xf32, #tpu.memory_space<vmem>>, vector<64x1xf32>
    tpu.vector_store %arg7[%swap3A_21, %swap3A_22], %add3A_20 {strides = array<i32>} : memref<64x1xf32, #tpu.memory_space<vmem>>, vector<64x1xf32>,
    %get3A_24 = arith.constant 0 : index
    %get3A_25 = arith.constant 0 : index
    %get3A_26 = vector.load %arg8[%get3A_24, %get3A_25] : memref<64x64xf32, #tpu.memory_space<vmem>>, vector<64x64xf32>
    %dot_general3A_27 = arith.constant dense<0.000000e+00> : vector<64x64xf32>
    %dot_general3A_28 = tpu.matmul %max3A_13, %max3A_13, %dot_general3A_27 {dimension_numbers = #tpu.dot_dimension_numbers<[1], [1], [0], [0], [0, 0, 1, 0], [], []>, transpose_lhs_hint = false} : vector<64x4096xf32>, vector<64x4096xf32>, vector<64x64xf32> -> vector<64x64xf32>
    %add3A_29 = arith.addf %get3A_26, %dot_general3A_28 : vector<64x64xf32>
    %swap3A_30 = arith.constant 0 : index
    %swap3A_31 = arith.constant 0 : index
    %swap3A_32 = vector.load %arg8[%swap3A_30, %swap3A_31] : memref<64x64xf32, #tpu.memory_space<vmem>>, vector<64x64xf32>
    tpu.vector_store %arg8[%swap3A_30, %swap3A_31], %add3A_29 {strides = array<i32>} : memref<64x64xf32, #tpu.memory_space<vmem>>, vector<64x64xf32>,
    %eq3A_33 = arith.constant 63 : i32
    %eq3A_34 = arith.cmpi eq, %arg0, %eq3A_33 : i32
    %convert_element_type3A_35 = arith.extui %eq3A_34 : i1 to i32
    %cond3A_36 = arith.constant 0 : i32
    %cond3A_37 = arith.cmpi ne, %convert_element_type3A_35, %cond3A_36 : i32
    scf.if %cond3A_37 {
      %get3A_38 = arith.constant 0 : index
      %get3A_39 = arith.constant 0 : index
      %get3A_40 = vector.load %arg7[%get3A_38, %get3A_39] : memref<64x1xf32, #tpu.memory_space<vmem>>, vector<64x1xf32>
      %swap3A_41 = arith.constant 0 : index
      %swap3A_42 = arith.constant 0 : index
      %swap3A_43 = vector.load %arg5[%swap3A_41, %swap3A_42] : memref<64x1xf32, #tpu.memory_space<vmem>>, vector<64x1xf32>
      tpu.vector_store %arg5[%swap3A_41, %swap3A_42], %get3A_40 {strides = array<i32>} : memref<64x1xf32, #tpu.memory_space<vmem>>, vector<64x1xf32>,
      %get3A_44 = arith.constant 0 : index
      %get3A_45 = arith.constant 0 : index
      %get3A_46 = vector.load %arg8[%get3A_44, %get3A_45] : memref<64x64xf32, #tpu.memory_space<vmem>>, vector<64x64xf32>
      %swap3A_47 = arith.constant 0 : index
      %swap3A_48 = arith.constant 0 : index
      %swap3A_49 = vector.load %arg6[%swap3A_47, %swap3A_48] : memref<64x64xf32, #tpu.memory_space<vmem>>, vector<64x64xf32>
      tpu.vector_store %arg6[%swap3A_47, %swap3A_48], %get3A_46 {strides = array<i32>} : memref<64x64xf32, #tpu.memory_space<vmem>>, vector<64x64xf32>,
    } else {
    }
    return
  }
  func.func @transform_0(%arg0: i32) -> (i32, i32) {
    %c0_i32 = arith.constant 0 : i32
    %c0_i32_0 = arith.constant 0 : i32
    return %c0_i32, %arg0 : i32, i32
  }
  func.func @transform_1(%arg0: i32) -> (i32, i32) {
    %c0_i32 = arith.constant 0 : i32
    %c0_i32_0 = arith.constant 0 : i32
    %c0_i32_1 = arith.constant 0 : i32
    return %c0_i32, %c0_i32_0 : i32, i32
  }
  func.func @transform_2(%arg0: i32) -> (i32, i32) {
    %c0_i32 = arith.constant 0 : i32
    %c0_i32_0 = arith.constant 0 : i32
    %c0_i32_1 = arith.constant 0 : i32
    return %c0_i32, %c0_i32_0 : i32, i32
  }
  func.func @transform_3(%arg0: i32) -> (i32, i32) {
    %c0_i32 = arith.constant 0 : i32
    %c0_i32_0 = arith.constant 0 : i32
    return %c0_i32, %arg0 : i32, i32
  }
  func.func @transform_4(%arg0: i32) -> (i32, i32) {
    %c0_i32 = arith.constant 0 : i32
    %c0_i32_0 = arith.constant 0 : i32
    %c0_i32_1 = arith.constant 0 : i32
    return %c0_i32, %c0_i32_0 : i32, i32
  }
  func.func @transform_5(%arg0: i32) -> (i32, i32) {
    %c0_i32 = arith.constant 0 : i32
    %c0_i32_0 = arith.constant 0 : i32
    %c0_i32_1 = arith.constant 0 : i32
    return %c0_i32, %c0_i32_0 : i32, i32
  }
}

module attributes {stable_mosaic.version = 14 : i64} {
  func.func @_l2max_body(%arg0: i32, %arg1: i32, %arg2: memref<64x1x32x256xf32, #tpu.memory_space<vmem>>, %arg3: memref<128x64xf32, #tpu.memory_space<vmem>>, %arg4: memref<128x1xf32, #tpu.memory_space<vmem>>, %arg5: memref<1x128x256xf32, #tpu.memory_space<vmem>>) attributes {dimension_semantics = [#tpu.dimension_semantics<arbitrary>, #tpu.dimension_semantics<arbitrary>], iteration_bounds = array<i64: 8, 4>, scalar_prefetch = 0 : i64, scratch_operands = 0 : i64, tpu.core_type = #tpu.core_type<tc>, window_params = [{transform_indices = @transform_0, window_bounds = array<i64: 64, 1, 32, 256>}, {pipeline_mode = #tpu.pipeline_mode<synchronous>, transform_indices = @transform_1, window_bounds = array<i64: 128, 64>}, {pipeline_mode = #tpu.pipeline_mode<synchronous>, transform_indices = @transform_2, window_bounds = array<i64: 128, 1>}, {transform_indices = @transform_3, window_bounds = array<i64: 1, 128, 256>}]} {
    %get3A = arith.constant 0 : index
    %get3A_0 = arith.constant 0 : index
    %get3A_1 = vector.load %arg3[%get3A, %get3A_0] : memref<128x64xf32, #tpu.memory_space<vmem>>, vector<128x64xf32>
    %get3A_2 = arith.constant 0 : index
    %get3A_3 = arith.constant 0 : index
    %get3A_4 = vector.load %arg4[%get3A_2, %get3A_3] : memref<128x1xf32, #tpu.memory_space<vmem>>, vector<128x1xf32>
    %broadcast_in_dim3A = arith.constant -1.000000e+30 : f32
    %broadcast_in_dim3A_5 = vector.broadcast %broadcast_in_dim3A : f32 to vector<128x256xf32>
    %get3A_6 = arith.constant 0 : index
    %get3A_7 = arith.constant 0 : index
    %get3A_8 = arith.constant 0 : index
    %get3A_9 = arith.constant 0 : index
    %get3A_10 = vector.load %arg2[%get3A_6, %get3A_7, %get3A_8, %get3A_9] : memref<64x1x32x256xf32, #tpu.memory_space<vmem>>, vector<64x1x1x256xf32>
    %get3A_11 = vector.shape_cast %get3A_10 : vector<64x1x1x256xf32> to vector<64x256xf32>
    %dot_general3A = arith.constant dense<0.000000e+00> : vector<128x256xf32>
    %dot_general3A_12 = tpu.matmul %get3A_1, %get3A_11, %dot_general3A {dimension_numbers = #tpu.dot_dimension_numbers<[1], [0], [0], [1], [0, 0, 1, 1], [], []>, transpose_lhs_hint = false} : vector<128x64xf32>, vector<64x256xf32>, vector<128x256xf32> -> vector<128x256xf32>
    %add3A = vector.broadcast %get3A_4 : vector<128x1xf32> to vector<128x256xf32>
    %add3A_13 = arith.addf %dot_general3A_12, %add3A : vector<128x256xf32>
    %max3A = arith.constant 0.000000e+00 : f32
    %max3A_14 = vector.broadcast %max3A : f32 to vector<128x256xf32>
    %max3A_15 = arith.maximumf %add3A_13, %max3A_14 : vector<128x256xf32>
    %max3A_16 = arith.maximumf %broadcast_in_dim3A_5, %max3A_15 : vector<128x256xf32>
    %get3A_17 = arith.constant 0 : index
    %get3A_18 = arith.constant 0 : index
    %get3A_19 = arith.constant 1 : index
    %get3A_20 = arith.constant 0 : index
    %get3A_21 = vector.load %arg2[%get3A_17, %get3A_18, %get3A_19, %get3A_20] : memref<64x1x32x256xf32, #tpu.memory_space<vmem>>, vector<64x1x1x256xf32>
    %get3A_22 = vector.shape_cast %get3A_21 : vector<64x1x1x256xf32> to vector<64x256xf32>
    %dot_general3A_23 = arith.constant dense<0.000000e+00> : vector<128x256xf32>
    %dot_general3A_24 = tpu.matmul %get3A_1, %get3A_22, %dot_general3A_23 {dimension_numbers = #tpu.dot_dimension_numbers<[1], [0], [0], [1], [0, 0, 1, 1], [], []>, transpose_lhs_hint = false} : vector<128x64xf32>, vector<64x256xf32>, vector<128x256xf32> -> vector<128x256xf32>
    %add3A_25 = vector.broadcast %get3A_4 : vector<128x1xf32> to vector<128x256xf32>
    %add3A_26 = arith.addf %dot_general3A_24, %add3A_25 : vector<128x256xf32>
    %max3A_27 = arith.constant 0.000000e+00 : f32
    %max3A_28 = vector.broadcast %max3A_27 : f32 to vector<128x256xf32>
    %max3A_29 = arith.maximumf %add3A_26, %max3A_28 : vector<128x256xf32>
    %max3A_30 = arith.maximumf %max3A_16, %max3A_29 : vector<128x256xf32>
    %get3A_31 = arith.constant 0 : index
    %get3A_32 = arith.constant 0 : index
    %get3A_33 = arith.constant 2 : index
    %get3A_34 = arith.constant 0 : index
    %get3A_35 = vector.load %arg2[%get3A_31, %get3A_32, %get3A_33, %get3A_34] : memref<64x1x32x256xf32, #tpu.memory_space<vmem>>, vector<64x1x1x256xf32>
    %get3A_36 = vector.shape_cast %get3A_35 : vector<64x1x1x256xf32> to vector<64x256xf32>
    %dot_general3A_37 = arith.constant dense<0.000000e+00> : vector<128x256xf32>
    %dot_general3A_38 = tpu.matmul %get3A_1, %get3A_36, %dot_general3A_37 {dimension_numbers = #tpu.dot_dimension_numbers<[1], [0], [0], [1], [0, 0, 1, 1], [], []>, transpose_lhs_hint = false} : vector<128x64xf32>, vector<64x256xf32>, vector<128x256xf32> -> vector<128x256xf32>
    %add3A_39 = vector.broadcast %get3A_4 : vector<128x1xf32> to vector<128x256xf32>
    %add3A_40 = arith.addf %dot_general3A_38, %add3A_39 : vector<128x256xf32>
    %max3A_41 = arith.constant 0.000000e+00 : f32
    %max3A_42 = vector.broadcast %max3A_41 : f32 to vector<128x256xf32>
    %max3A_43 = arith.maximumf %add3A_40, %max3A_42 : vector<128x256xf32>
    %max3A_44 = arith.maximumf %max3A_30, %max3A_43 : vector<128x256xf32>
    %get3A_45 = arith.constant 0 : index
    %get3A_46 = arith.constant 0 : index
    %get3A_47 = arith.constant 3 : index
    %get3A_48 = arith.constant 0 : index
    %get3A_49 = vector.load %arg2[%get3A_45, %get3A_46, %get3A_47, %get3A_48] : memref<64x1x32x256xf32, #tpu.memory_space<vmem>>, vector<64x1x1x256xf32>
    %get3A_50 = vector.shape_cast %get3A_49 : vector<64x1x1x256xf32> to vector<64x256xf32>
    %dot_general3A_51 = arith.constant dense<0.000000e+00> : vector<128x256xf32>
    %dot_general3A_52 = tpu.matmul %get3A_1, %get3A_50, %dot_general3A_51 {dimension_numbers = #tpu.dot_dimension_numbers<[1], [0], [0], [1], [0, 0, 1, 1], [], []>, transpose_lhs_hint = false} : vector<128x64xf32>, vector<64x256xf32>, vector<128x256xf32> -> vector<128x256xf32>
    %add3A_53 = vector.broadcast %get3A_4 : vector<128x1xf32> to vector<128x256xf32>
    %add3A_54 = arith.addf %dot_general3A_52, %add3A_53 : vector<128x256xf32>
    %max3A_55 = arith.constant 0.000000e+00 : f32
    %max3A_56 = vector.broadcast %max3A_55 : f32 to vector<128x256xf32>
    %max3A_57 = arith.maximumf %add3A_54, %max3A_56 : vector<128x256xf32>
    %max3A_58 = arith.maximumf %max3A_44, %max3A_57 : vector<128x256xf32>
    %get3A_59 = arith.constant 0 : index
    %get3A_60 = arith.constant 0 : index
    %get3A_61 = arith.constant 4 : index
    %get3A_62 = arith.constant 0 : index
    %get3A_63 = vector.load %arg2[%get3A_59, %get3A_60, %get3A_61, %get3A_62] : memref<64x1x32x256xf32, #tpu.memory_space<vmem>>, vector<64x1x1x256xf32>
    %get3A_64 = vector.shape_cast %get3A_63 : vector<64x1x1x256xf32> to vector<64x256xf32>
    %dot_general3A_65 = arith.constant dense<0.000000e+00> : vector<128x256xf32>
    %dot_general3A_66 = tpu.matmul %get3A_1, %get3A_64, %dot_general3A_65 {dimension_numbers = #tpu.dot_dimension_numbers<[1], [0], [0], [1], [0, 0, 1, 1], [], []>, transpose_lhs_hint = false} : vector<128x64xf32>, vector<64x256xf32>, vector<128x256xf32> -> vector<128x256xf32>
    %add3A_67 = vector.broadcast %get3A_4 : vector<128x1xf32> to vector<128x256xf32>
    %add3A_68 = arith.addf %dot_general3A_66, %add3A_67 : vector<128x256xf32>
    %max3A_69 = arith.constant 0.000000e+00 : f32
    %max3A_70 = vector.broadcast %max3A_69 : f32 to vector<128x256xf32>
    %max3A_71 = arith.maximumf %add3A_68, %max3A_70 : vector<128x256xf32>
    %max3A_72 = arith.maximumf %max3A_58, %max3A_71 : vector<128x256xf32>
    %get3A_73 = arith.constant 0 : index
    %get3A_74 = arith.constant 0 : index
    %get3A_75 = arith.constant 5 : index
    %get3A_76 = arith.constant 0 : index
    %get3A_77 = vector.load %arg2[%get3A_73, %get3A_74, %get3A_75, %get3A_76] : memref<64x1x32x256xf32, #tpu.memory_space<vmem>>, vector<64x1x1x256xf32>
    %get3A_78 = vector.shape_cast %get3A_77 : vector<64x1x1x256xf32> to vector<64x256xf32>
    %dot_general3A_79 = arith.constant dense<0.000000e+00> : vector<128x256xf32>
    %dot_general3A_80 = tpu.matmul %get3A_1, %get3A_78, %dot_general3A_79 {dimension_numbers = #tpu.dot_dimension_numbers<[1], [0], [0], [1], [0, 0, 1, 1], [], []>, transpose_lhs_hint = false} : vector<128x64xf32>, vector<64x256xf32>, vector<128x256xf32> -> vector<128x256xf32>
    %add3A_81 = vector.broadcast %get3A_4 : vector<128x1xf32> to vector<128x256xf32>
    %add3A_82 = arith.addf %dot_general3A_80, %add3A_81 : vector<128x256xf32>
    %max3A_83 = arith.constant 0.000000e+00 : f32
    %max3A_84 = vector.broadcast %max3A_83 : f32 to vector<128x256xf32>
    %max3A_85 = arith.maximumf %add3A_82, %max3A_84 : vector<128x256xf32>
    %max3A_86 = arith.maximumf %max3A_72, %max3A_85 : vector<128x256xf32>
    %get3A_87 = arith.constant 0 : index
    %get3A_88 = arith.constant 0 : index
    %get3A_89 = arith.constant 6 : index
    %get3A_90 = arith.constant 0 : index
    %get3A_91 = vector.load %arg2[%get3A_87, %get3A_88, %get3A_89, %get3A_90] : memref<64x1x32x256xf32, #tpu.memory_space<vmem>>, vector<64x1x1x256xf32>
    %get3A_92 = vector.shape_cast %get3A_91 : vector<64x1x1x256xf32> to vector<64x256xf32>
    %dot_general3A_93 = arith.constant dense<0.000000e+00> : vector<128x256xf32>
    %dot_general3A_94 = tpu.matmul %get3A_1, %get3A_92, %dot_general3A_93 {dimension_numbers = #tpu.dot_dimension_numbers<[1], [0], [0], [1], [0, 0, 1, 1], [], []>, transpose_lhs_hint = false} : vector<128x64xf32>, vector<64x256xf32>, vector<128x256xf32> -> vector<128x256xf32>
    %add3A_95 = vector.broadcast %get3A_4 : vector<128x1xf32> to vector<128x256xf32>
    %add3A_96 = arith.addf %dot_general3A_94, %add3A_95 : vector<128x256xf32>
    %max3A_97 = arith.constant 0.000000e+00 : f32
    %max3A_98 = vector.broadcast %max3A_97 : f32 to vector<128x256xf32>
    %max3A_99 = arith.maximumf %add3A_96, %max3A_98 : vector<128x256xf32>
    %max3A_100 = arith.maximumf %max3A_86, %max3A_99 : vector<128x256xf32>
    %get3A_101 = arith.constant 0 : index
    %get3A_102 = arith.constant 0 : index
    %get3A_103 = arith.constant 7 : index
    %get3A_104 = arith.constant 0 : index
    %get3A_105 = vector.load %arg2[%get3A_101, %get3A_102, %get3A_103, %get3A_104] : memref<64x1x32x256xf32, #tpu.memory_space<vmem>>, vector<64x1x1x256xf32>
    %get3A_106 = vector.shape_cast %get3A_105 : vector<64x1x1x256xf32> to vector<64x256xf32>
    %dot_general3A_107 = arith.constant dense<0.000000e+00> : vector<128x256xf32>
    %dot_general3A_108 = tpu.matmul %get3A_1, %get3A_106, %dot_general3A_107 {dimension_numbers = #tpu.dot_dimension_numbers<[1], [0], [0], [1], [0, 0, 1, 1], [], []>, transpose_lhs_hint = false} : vector<128x64xf32>, vector<64x256xf32>, vector<128x256xf32> -> vector<128x256xf32>
    %add3A_109 = vector.broadcast %get3A_4 : vector<128x1xf32> to vector<128x256xf32>
    %add3A_110 = arith.addf %dot_general3A_108, %add3A_109 : vector<128x256xf32>
    %max3A_111 = arith.constant 0.000000e+00 : f32
    %max3A_112 = vector.broadcast %max3A_111 : f32 to vector<128x256xf32>
    %max3A_113 = arith.maximumf %add3A_110, %max3A_112 : vector<128x256xf32>
    %max3A_114 = arith.maximumf %max3A_100, %max3A_113 : vector<128x256xf32>
    %get3A_115 = arith.constant 0 : index
    %get3A_116 = arith.constant 0 : index
    %get3A_117 = arith.constant 8 : index
    %get3A_118 = arith.constant 0 : index
    %get3A_119 = vector.load %arg2[%get3A_115, %get3A_116, %get3A_117, %get3A_118] : memref<64x1x32x256xf32, #tpu.memory_space<vmem>>, vector<64x1x1x256xf32>
    %get3A_120 = vector.shape_cast %get3A_119 : vector<64x1x1x256xf32> to vector<64x256xf32>
    %dot_general3A_121 = arith.constant dense<0.000000e+00> : vector<128x256xf32>
    %dot_general3A_122 = tpu.matmul %get3A_1, %get3A_120, %dot_general3A_121 {dimension_numbers = #tpu.dot_dimension_numbers<[1], [0], [0], [1], [0, 0, 1, 1], [], []>, transpose_lhs_hint = false} : vector<128x64xf32>, vector<64x256xf32>, vector<128x256xf32> -> vector<128x256xf32>
    %add3A_123 = vector.broadcast %get3A_4 : vector<128x1xf32> to vector<128x256xf32>
    %add3A_124 = arith.addf %dot_general3A_122, %add3A_123 : vector<128x256xf32>
    %max3A_125 = arith.constant 0.000000e+00 : f32
    %max3A_126 = vector.broadcast %max3A_125 : f32 to vector<128x256xf32>
    %max3A_127 = arith.maximumf %add3A_124, %max3A_126 : vector<128x256xf32>
    %max3A_128 = arith.maximumf %max3A_114, %max3A_127 : vector<128x256xf32>
    %get3A_129 = arith.constant 0 : index
    %get3A_130 = arith.constant 0 : index
    %get3A_131 = arith.constant 9 : index
    %get3A_132 = arith.constant 0 : index
    %get3A_133 = vector.load %arg2[%get3A_129, %get3A_130, %get3A_131, %get3A_132] : memref<64x1x32x256xf32, #tpu.memory_space<vmem>>, vector<64x1x1x256xf32>
    %get3A_134 = vector.shape_cast %get3A_133 : vector<64x1x1x256xf32> to vector<64x256xf32>
    %dot_general3A_135 = arith.constant dense<0.000000e+00> : vector<128x256xf32>
    %dot_general3A_136 = tpu.matmul %get3A_1, %get3A_134, %dot_general3A_135 {dimension_numbers = #tpu.dot_dimension_numbers<[1], [0], [0], [1], [0, 0, 1, 1], [], []>, transpose_lhs_hint = false} : vector<128x64xf32>, vector<64x256xf32>, vector<128x256xf32> -> vector<128x256xf32>
    %add3A_137 = vector.broadcast %get3A_4 : vector<128x1xf32> to vector<128x256xf32>
    %add3A_138 = arith.addf %dot_general3A_136, %add3A_137 : vector<128x256xf32>
    %max3A_139 = arith.constant 0.000000e+00 : f32
    %max3A_140 = vector.broadcast %max3A_139 : f32 to vector<128x256xf32>
    %max3A_141 = arith.maximumf %add3A_138, %max3A_140 : vector<128x256xf32>
    %max3A_142 = arith.maximumf %max3A_128, %max3A_141 : vector<128x256xf32>
    %get3A_143 = arith.constant 0 : index
    %get3A_144 = arith.constant 0 : index
    %get3A_145 = arith.constant 10 : index
    %get3A_146 = arith.constant 0 : index
    %get3A_147 = vector.load %arg2[%get3A_143, %get3A_144, %get3A_145, %get3A_146] : memref<64x1x32x256xf32, #tpu.memory_space<vmem>>, vector<64x1x1x256xf32>
    %get3A_148 = vector.shape_cast %get3A_147 : vector<64x1x1x256xf32> to vector<64x256xf32>
    %dot_general3A_149 = arith.constant dense<0.000000e+00> : vector<128x256xf32>
    %dot_general3A_150 = tpu.matmul %get3A_1, %get3A_148, %dot_general3A_149 {dimension_numbers = #tpu.dot_dimension_numbers<[1], [0], [0], [1], [0, 0, 1, 1], [], []>, transpose_lhs_hint = false} : vector<128x64xf32>, vector<64x256xf32>, vector<128x256xf32> -> vector<128x256xf32>
    %add3A_151 = vector.broadcast %get3A_4 : vector<128x1xf32> to vector<128x256xf32>
    %add3A_152 = arith.addf %dot_general3A_150, %add3A_151 : vector<128x256xf32>
    %max3A_153 = arith.constant 0.000000e+00 : f32
    %max3A_154 = vector.broadcast %max3A_153 : f32 to vector<128x256xf32>
    %max3A_155 = arith.maximumf %add3A_152, %max3A_154 : vector<128x256xf32>
    %max3A_156 = arith.maximumf %max3A_142, %max3A_155 : vector<128x256xf32>
    %get3A_157 = arith.constant 0 : index
    %get3A_158 = arith.constant 0 : index
    %get3A_159 = arith.constant 11 : index
    %get3A_160 = arith.constant 0 : index
    %get3A_161 = vector.load %arg2[%get3A_157, %get3A_158, %get3A_159, %get3A_160] : memref<64x1x32x256xf32, #tpu.memory_space<vmem>>, vector<64x1x1x256xf32>
    %get3A_162 = vector.shape_cast %get3A_161 : vector<64x1x1x256xf32> to vector<64x256xf32>
    %dot_general3A_163 = arith.constant dense<0.000000e+00> : vector<128x256xf32>
    %dot_general3A_164 = tpu.matmul %get3A_1, %get3A_162, %dot_general3A_163 {dimension_numbers = #tpu.dot_dimension_numbers<[1], [0], [0], [1], [0, 0, 1, 1], [], []>, transpose_lhs_hint = false} : vector<128x64xf32>, vector<64x256xf32>, vector<128x256xf32> -> vector<128x256xf32>
    %add3A_165 = vector.broadcast %get3A_4 : vector<128x1xf32> to vector<128x256xf32>
    %add3A_166 = arith.addf %dot_general3A_164, %add3A_165 : vector<128x256xf32>
    %max3A_167 = arith.constant 0.000000e+00 : f32
    %max3A_168 = vector.broadcast %max3A_167 : f32 to vector<128x256xf32>
    %max3A_169 = arith.maximumf %add3A_166, %max3A_168 : vector<128x256xf32>
    %max3A_170 = arith.maximumf %max3A_156, %max3A_169 : vector<128x256xf32>
    %get3A_171 = arith.constant 0 : index
    %get3A_172 = arith.constant 0 : index
    %get3A_173 = arith.constant 12 : index
    %get3A_174 = arith.constant 0 : index
    %get3A_175 = vector.load %arg2[%get3A_171, %get3A_172, %get3A_173, %get3A_174] : memref<64x1x32x256xf32, #tpu.memory_space<vmem>>, vector<64x1x1x256xf32>
    %get3A_176 = vector.shape_cast %get3A_175 : vector<64x1x1x256xf32> to vector<64x256xf32>
    %dot_general3A_177 = arith.constant dense<0.000000e+00> : vector<128x256xf32>
    %dot_general3A_178 = tpu.matmul %get3A_1, %get3A_176, %dot_general3A_177 {dimension_numbers = #tpu.dot_dimension_numbers<[1], [0], [0], [1], [0, 0, 1, 1], [], []>, transpose_lhs_hint = false} : vector<128x64xf32>, vector<64x256xf32>, vector<128x256xf32> -> vector<128x256xf32>
    %add3A_179 = vector.broadcast %get3A_4 : vector<128x1xf32> to vector<128x256xf32>
    %add3A_180 = arith.addf %dot_general3A_178, %add3A_179 : vector<128x256xf32>
    %max3A_181 = arith.constant 0.000000e+00 : f32
    %max3A_182 = vector.broadcast %max3A_181 : f32 to vector<128x256xf32>
    %max3A_183 = arith.maximumf %add3A_180, %max3A_182 : vector<128x256xf32>
    %max3A_184 = arith.maximumf %max3A_170, %max3A_183 : vector<128x256xf32>
    %get3A_185 = arith.constant 0 : index
    %get3A_186 = arith.constant 0 : index
    %get3A_187 = arith.constant 13 : index
    %get3A_188 = arith.constant 0 : index
    %get3A_189 = vector.load %arg2[%get3A_185, %get3A_186, %get3A_187, %get3A_188] : memref<64x1x32x256xf32, #tpu.memory_space<vmem>>, vector<64x1x1x256xf32>
    %get3A_190 = vector.shape_cast %get3A_189 : vector<64x1x1x256xf32> to vector<64x256xf32>
    %dot_general3A_191 = arith.constant dense<0.000000e+00> : vector<128x256xf32>
    %dot_general3A_192 = tpu.matmul %get3A_1, %get3A_190, %dot_general3A_191 {dimension_numbers = #tpu.dot_dimension_numbers<[1], [0], [0], [1], [0, 0, 1, 1], [], []>, transpose_lhs_hint = false} : vector<128x64xf32>, vector<64x256xf32>, vector<128x256xf32> -> vector<128x256xf32>
    %add3A_193 = vector.broadcast %get3A_4 : vector<128x1xf32> to vector<128x256xf32>
    %add3A_194 = arith.addf %dot_general3A_192, %add3A_193 : vector<128x256xf32>
    %max3A_195 = arith.constant 0.000000e+00 : f32
    %max3A_196 = vector.broadcast %max3A_195 : f32 to vector<128x256xf32>
    %max3A_197 = arith.maximumf %add3A_194, %max3A_196 : vector<128x256xf32>
    %max3A_198 = arith.maximumf %max3A_184, %max3A_197 : vector<128x256xf32>
    %get3A_199 = arith.constant 0 : index
    %get3A_200 = arith.constant 0 : index
    %get3A_201 = arith.constant 14 : index
    %get3A_202 = arith.constant 0 : index
    %get3A_203 = vector.load %arg2[%get3A_199, %get3A_200, %get3A_201, %get3A_202] : memref<64x1x32x256xf32, #tpu.memory_space<vmem>>, vector<64x1x1x256xf32>
    %get3A_204 = vector.shape_cast %get3A_203 : vector<64x1x1x256xf32> to vector<64x256xf32>
    %dot_general3A_205 = arith.constant dense<0.000000e+00> : vector<128x256xf32>
    %dot_general3A_206 = tpu.matmul %get3A_1, %get3A_204, %dot_general3A_205 {dimension_numbers = #tpu.dot_dimension_numbers<[1], [0], [0], [1], [0, 0, 1, 1], [], []>, transpose_lhs_hint = false} : vector<128x64xf32>, vector<64x256xf32>, vector<128x256xf32> -> vector<128x256xf32>
    %add3A_207 = vector.broadcast %get3A_4 : vector<128x1xf32> to vector<128x256xf32>
    %add3A_208 = arith.addf %dot_general3A_206, %add3A_207 : vector<128x256xf32>
    %max3A_209 = arith.constant 0.000000e+00 : f32
    %max3A_210 = vector.broadcast %max3A_209 : f32 to vector<128x256xf32>
    %max3A_211 = arith.maximumf %add3A_208, %max3A_210 : vector<128x256xf32>
    %max3A_212 = arith.maximumf %max3A_198, %max3A_211 : vector<128x256xf32>
    %get3A_213 = arith.constant 0 : index
    %get3A_214 = arith.constant 0 : index
    %get3A_215 = arith.constant 15 : index
    %get3A_216 = arith.constant 0 : index
    %get3A_217 = vector.load %arg2[%get3A_213, %get3A_214, %get3A_215, %get3A_216] : memref<64x1x32x256xf32, #tpu.memory_space<vmem>>, vector<64x1x1x256xf32>
    %get3A_218 = vector.shape_cast %get3A_217 : vector<64x1x1x256xf32> to vector<64x256xf32>
    %dot_general3A_219 = arith.constant dense<0.000000e+00> : vector<128x256xf32>
    %dot_general3A_220 = tpu.matmul %get3A_1, %get3A_218, %dot_general3A_219 {dimension_numbers = #tpu.dot_dimension_numbers<[1], [0], [0], [1], [0, 0, 1, 1], [], []>, transpose_lhs_hint = false} : vector<128x64xf32>, vector<64x256xf32>, vector<128x256xf32> -> vector<128x256xf32>
    %add3A_221 = vector.broadcast %get3A_4 : vector<128x1xf32> to vector<128x256xf32>
    %add3A_222 = arith.addf %dot_general3A_220, %add3A_221 : vector<128x256xf32>
    %max3A_223 = arith.constant 0.000000e+00 : f32
    %max3A_224 = vector.broadcast %max3A_223 : f32 to vector<128x256xf32>
    %max3A_225 = arith.maximumf %add3A_222, %max3A_224 : vector<128x256xf32>
    %max3A_226 = arith.maximumf %max3A_212, %max3A_225 : vector<128x256xf32>
    %get3A_227 = arith.constant 0 : index
    %get3A_228 = arith.constant 0 : index
    %get3A_229 = arith.constant 16 : index
    %get3A_230 = arith.constant 0 : index
    %get3A_231 = vector.load %arg2[%get3A_227, %get3A_228, %get3A_229, %get3A_230] : memref<64x1x32x256xf32, #tpu.memory_space<vmem>>, vector<64x1x1x256xf32>
    %get3A_232 = vector.shape_cast %get3A_231 : vector<64x1x1x256xf32> to vector<64x256xf32>
    %dot_general3A_233 = arith.constant dense<0.000000e+00> : vector<128x256xf32>
    %dot_general3A_234 = tpu.matmul %get3A_1, %get3A_232, %dot_general3A_233 {dimension_numbers = #tpu.dot_dimension_numbers<[1], [0], [0], [1], [0, 0, 1, 1], [], []>, transpose_lhs_hint = false} : vector<128x64xf32>, vector<64x256xf32>, vector<128x256xf32> -> vector<128x256xf32>
    %add3A_235 = vector.broadcast %get3A_4 : vector<128x1xf32> to vector<128x256xf32>
    %add3A_236 = arith.addf %dot_general3A_234, %add3A_235 : vector<128x256xf32>
    %max3A_237 = arith.constant 0.000000e+00 : f32
    %max3A_238 = vector.broadcast %max3A_237 : f32 to vector<128x256xf32>
    %max3A_239 = arith.maximumf %add3A_236, %max3A_238 : vector<128x256xf32>
    %max3A_240 = arith.maximumf %max3A_226, %max3A_239 : vector<128x256xf32>
    %get3A_241 = arith.constant 0 : index
    %get3A_242 = arith.constant 0 : index
    %get3A_243 = arith.constant 17 : index
    %get3A_244 = arith.constant 0 : index
    %get3A_245 = vector.load %arg2[%get3A_241, %get3A_242, %get3A_243, %get3A_244] : memref<64x1x32x256xf32, #tpu.memory_space<vmem>>, vector<64x1x1x256xf32>
    %get3A_246 = vector.shape_cast %get3A_245 : vector<64x1x1x256xf32> to vector<64x256xf32>
    %dot_general3A_247 = arith.constant dense<0.000000e+00> : vector<128x256xf32>
    %dot_general3A_248 = tpu.matmul %get3A_1, %get3A_246, %dot_general3A_247 {dimension_numbers = #tpu.dot_dimension_numbers<[1], [0], [0], [1], [0, 0, 1, 1], [], []>, transpose_lhs_hint = false} : vector<128x64xf32>, vector<64x256xf32>, vector<128x256xf32> -> vector<128x256xf32>
    %add3A_249 = vector.broadcast %get3A_4 : vector<128x1xf32> to vector<128x256xf32>
    %add3A_250 = arith.addf %dot_general3A_248, %add3A_249 : vector<128x256xf32>
    %max3A_251 = arith.constant 0.000000e+00 : f32
    %max3A_252 = vector.broadcast %max3A_251 : f32 to vector<128x256xf32>
    %max3A_253 = arith.maximumf %add3A_250, %max3A_252 : vector<128x256xf32>
    %max3A_254 = arith.maximumf %max3A_240, %max3A_253 : vector<128x256xf32>
    %get3A_255 = arith.constant 0 : index
    %get3A_256 = arith.constant 0 : index
    %get3A_257 = arith.constant 18 : index
    %get3A_258 = arith.constant 0 : index
    %get3A_259 = vector.load %arg2[%get3A_255, %get3A_256, %get3A_257, %get3A_258] : memref<64x1x32x256xf32, #tpu.memory_space<vmem>>, vector<64x1x1x256xf32>
    %get3A_260 = vector.shape_cast %get3A_259 : vector<64x1x1x256xf32> to vector<64x256xf32>
    %dot_general3A_261 = arith.constant dense<0.000000e+00> : vector<128x256xf32>
    %dot_general3A_262 = tpu.matmul %get3A_1, %get3A_260, %dot_general3A_261 {dimension_numbers = #tpu.dot_dimension_numbers<[1], [0], [0], [1], [0, 0, 1, 1], [], []>, transpose_lhs_hint = false} : vector<128x64xf32>, vector<64x256xf32>, vector<128x256xf32> -> vector<128x256xf32>
    %add3A_263 = vector.broadcast %get3A_4 : vector<128x1xf32> to vector<128x256xf32>
    %add3A_264 = arith.addf %dot_general3A_262, %add3A_263 : vector<128x256xf32>
    %max3A_265 = arith.constant 0.000000e+00 : f32
    %max3A_266 = vector.broadcast %max3A_265 : f32 to vector<128x256xf32>
    %max3A_267 = arith.maximumf %add3A_264, %max3A_266 : vector<128x256xf32>
    %max3A_268 = arith.maximumf %max3A_254, %max3A_267 : vector<128x256xf32>
    %get3A_269 = arith.constant 0 : index
    %get3A_270 = arith.constant 0 : index
    %get3A_271 = arith.constant 19 : index
    %get3A_272 = arith.constant 0 : index
    %get3A_273 = vector.load %arg2[%get3A_269, %get3A_270, %get3A_271, %get3A_272] : memref<64x1x32x256xf32, #tpu.memory_space<vmem>>, vector<64x1x1x256xf32>
    %get3A_274 = vector.shape_cast %get3A_273 : vector<64x1x1x256xf32> to vector<64x256xf32>
    %dot_general3A_275 = arith.constant dense<0.000000e+00> : vector<128x256xf32>
    %dot_general3A_276 = tpu.matmul %get3A_1, %get3A_274, %dot_general3A_275 {dimension_numbers = #tpu.dot_dimension_numbers<[1], [0], [0], [1], [0, 0, 1, 1], [], []>, transpose_lhs_hint = false} : vector<128x64xf32>, vector<64x256xf32>, vector<128x256xf32> -> vector<128x256xf32>
    %add3A_277 = vector.broadcast %get3A_4 : vector<128x1xf32> to vector<128x256xf32>
    %add3A_278 = arith.addf %dot_general3A_276, %add3A_277 : vector<128x256xf32>
    %max3A_279 = arith.constant 0.000000e+00 : f32
    %max3A_280 = vector.broadcast %max3A_279 : f32 to vector<128x256xf32>
    %max3A_281 = arith.maximumf %add3A_278, %max3A_280 : vector<128x256xf32>
    %max3A_282 = arith.maximumf %max3A_268, %max3A_281 : vector<128x256xf32>
    %get3A_283 = arith.constant 0 : index
    %get3A_284 = arith.constant 0 : index
    %get3A_285 = arith.constant 20 : index
    %get3A_286 = arith.constant 0 : index
    %get3A_287 = vector.load %arg2[%get3A_283, %get3A_284, %get3A_285, %get3A_286] : memref<64x1x32x256xf32, #tpu.memory_space<vmem>>, vector<64x1x1x256xf32>
    %get3A_288 = vector.shape_cast %get3A_287 : vector<64x1x1x256xf32> to vector<64x256xf32>
    %dot_general3A_289 = arith.constant dense<0.000000e+00> : vector<128x256xf32>
    %dot_general3A_290 = tpu.matmul %get3A_1, %get3A_288, %dot_general3A_289 {dimension_numbers = #tpu.dot_dimension_numbers<[1], [0], [0], [1], [0, 0, 1, 1], [], []>, transpose_lhs_hint = false} : vector<128x64xf32>, vector<64x256xf32>, vector<128x256xf32> -> vector<128x256xf32>
    %add3A_291 = vector.broadcast %get3A_4 : vector<128x1xf32> to vector<128x256xf32>
    %add3A_292 = arith.addf %dot_general3A_290, %add3A_291 : vector<128x256xf32>
    %max3A_293 = arith.constant 0.000000e+00 : f32
    %max3A_294 = vector.broadcast %max3A_293 : f32 to vector<128x256xf32>
    %max3A_295 = arith.maximumf %add3A_292, %max3A_294 : vector<128x256xf32>
    %max3A_296 = arith.maximumf %max3A_282, %max3A_295 : vector<128x256xf32>
    %get3A_297 = arith.constant 0 : index
    %get3A_298 = arith.constant 0 : index
    %get3A_299 = arith.constant 21 : index
    %get3A_300 = arith.constant 0 : index
    %get3A_301 = vector.load %arg2[%get3A_297, %get3A_298, %get3A_299, %get3A_300] : memref<64x1x32x256xf32, #tpu.memory_space<vmem>>, vector<64x1x1x256xf32>
    %get3A_302 = vector.shape_cast %get3A_301 : vector<64x1x1x256xf32> to vector<64x256xf32>
    %dot_general3A_303 = arith.constant dense<0.000000e+00> : vector<128x256xf32>
    %dot_general3A_304 = tpu.matmul %get3A_1, %get3A_302, %dot_general3A_303 {dimension_numbers = #tpu.dot_dimension_numbers<[1], [0], [0], [1], [0, 0, 1, 1], [], []>, transpose_lhs_hint = false} : vector<128x64xf32>, vector<64x256xf32>, vector<128x256xf32> -> vector<128x256xf32>
    %add3A_305 = vector.broadcast %get3A_4 : vector<128x1xf32> to vector<128x256xf32>
    %add3A_306 = arith.addf %dot_general3A_304, %add3A_305 : vector<128x256xf32>
    %max3A_307 = arith.constant 0.000000e+00 : f32
    %max3A_308 = vector.broadcast %max3A_307 : f32 to vector<128x256xf32>
    %max3A_309 = arith.maximumf %add3A_306, %max3A_308 : vector<128x256xf32>
    %max3A_310 = arith.maximumf %max3A_296, %max3A_309 : vector<128x256xf32>
    %get3A_311 = arith.constant 0 : index
    %get3A_312 = arith.constant 0 : index
    %get3A_313 = arith.constant 22 : index
    %get3A_314 = arith.constant 0 : index
    %get3A_315 = vector.load %arg2[%get3A_311, %get3A_312, %get3A_313, %get3A_314] : memref<64x1x32x256xf32, #tpu.memory_space<vmem>>, vector<64x1x1x256xf32>
    %get3A_316 = vector.shape_cast %get3A_315 : vector<64x1x1x256xf32> to vector<64x256xf32>
    %dot_general3A_317 = arith.constant dense<0.000000e+00> : vector<128x256xf32>
    %dot_general3A_318 = tpu.matmul %get3A_1, %get3A_316, %dot_general3A_317 {dimension_numbers = #tpu.dot_dimension_numbers<[1], [0], [0], [1], [0, 0, 1, 1], [], []>, transpose_lhs_hint = false} : vector<128x64xf32>, vector<64x256xf32>, vector<128x256xf32> -> vector<128x256xf32>
    %add3A_319 = vector.broadcast %get3A_4 : vector<128x1xf32> to vector<128x256xf32>
    %add3A_320 = arith.addf %dot_general3A_318, %add3A_319 : vector<128x256xf32>
    %max3A_321 = arith.constant 0.000000e+00 : f32
    %max3A_322 = vector.broadcast %max3A_321 : f32 to vector<128x256xf32>
    %max3A_323 = arith.maximumf %add3A_320, %max3A_322 : vector<128x256xf32>
    %max3A_324 = arith.maximumf %max3A_310, %max3A_323 : vector<128x256xf32>
    %get3A_325 = arith.constant 0 : index
    %get3A_326 = arith.constant 0 : index
    %get3A_327 = arith.constant 23 : index
    %get3A_328 = arith.constant 0 : index
    %get3A_329 = vector.load %arg2[%get3A_325, %get3A_326, %get3A_327, %get3A_328] : memref<64x1x32x256xf32, #tpu.memory_space<vmem>>, vector<64x1x1x256xf32>
    %get3A_330 = vector.shape_cast %get3A_329 : vector<64x1x1x256xf32> to vector<64x256xf32>
    %dot_general3A_331 = arith.constant dense<0.000000e+00> : vector<128x256xf32>
    %dot_general3A_332 = tpu.matmul %get3A_1, %get3A_330, %dot_general3A_331 {dimension_numbers = #tpu.dot_dimension_numbers<[1], [0], [0], [1], [0, 0, 1, 1], [], []>, transpose_lhs_hint = false} : vector<128x64xf32>, vector<64x256xf32>, vector<128x256xf32> -> vector<128x256xf32>
    %add3A_333 = vector.broadcast %get3A_4 : vector<128x1xf32> to vector<128x256xf32>
    %add3A_334 = arith.addf %dot_general3A_332, %add3A_333 : vector<128x256xf32>
    %max3A_335 = arith.constant 0.000000e+00 : f32
    %max3A_336 = vector.broadcast %max3A_335 : f32 to vector<128x256xf32>
    %max3A_337 = arith.maximumf %add3A_334, %max3A_336 : vector<128x256xf32>
    %max3A_338 = arith.maximumf %max3A_324, %max3A_337 : vector<128x256xf32>
    %get3A_339 = arith.constant 0 : index
    %get3A_340 = arith.constant 0 : index
    %get3A_341 = arith.constant 24 : index
    %get3A_342 = arith.constant 0 : index
    %get3A_343 = vector.load %arg2[%get3A_339, %get3A_340, %get3A_341, %get3A_342] : memref<64x1x32x256xf32, #tpu.memory_space<vmem>>, vector<64x1x1x256xf32>
    %get3A_344 = vector.shape_cast %get3A_343 : vector<64x1x1x256xf32> to vector<64x256xf32>
    %dot_general3A_345 = arith.constant dense<0.000000e+00> : vector<128x256xf32>
    %dot_general3A_346 = tpu.matmul %get3A_1, %get3A_344, %dot_general3A_345 {dimension_numbers = #tpu.dot_dimension_numbers<[1], [0], [0], [1], [0, 0, 1, 1], [], []>, transpose_lhs_hint = false} : vector<128x64xf32>, vector<64x256xf32>, vector<128x256xf32> -> vector<128x256xf32>
    %add3A_347 = vector.broadcast %get3A_4 : vector<128x1xf32> to vector<128x256xf32>
    %add3A_348 = arith.addf %dot_general3A_346, %add3A_347 : vector<128x256xf32>
    %max3A_349 = arith.constant 0.000000e+00 : f32
    %max3A_350 = vector.broadcast %max3A_349 : f32 to vector<128x256xf32>
    %max3A_351 = arith.maximumf %add3A_348, %max3A_350 : vector<128x256xf32>
    %max3A_352 = arith.maximumf %max3A_338, %max3A_351 : vector<128x256xf32>
    %get3A_353 = arith.constant 0 : index
    %get3A_354 = arith.constant 0 : index
    %get3A_355 = arith.constant 25 : index
    %get3A_356 = arith.constant 0 : index
    %get3A_357 = vector.load %arg2[%get3A_353, %get3A_354, %get3A_355, %get3A_356] : memref<64x1x32x256xf32, #tpu.memory_space<vmem>>, vector<64x1x1x256xf32>
    %get3A_358 = vector.shape_cast %get3A_357 : vector<64x1x1x256xf32> to vector<64x256xf32>
    %dot_general3A_359 = arith.constant dense<0.000000e+00> : vector<128x256xf32>
    %dot_general3A_360 = tpu.matmul %get3A_1, %get3A_358, %dot_general3A_359 {dimension_numbers = #tpu.dot_dimension_numbers<[1], [0], [0], [1], [0, 0, 1, 1], [], []>, transpose_lhs_hint = false} : vector<128x64xf32>, vector<64x256xf32>, vector<128x256xf32> -> vector<128x256xf32>
    %add3A_361 = vector.broadcast %get3A_4 : vector<128x1xf32> to vector<128x256xf32>
    %add3A_362 = arith.addf %dot_general3A_360, %add3A_361 : vector<128x256xf32>
    %max3A_363 = arith.constant 0.000000e+00 : f32
    %max3A_364 = vector.broadcast %max3A_363 : f32 to vector<128x256xf32>
    %max3A_365 = arith.maximumf %add3A_362, %max3A_364 : vector<128x256xf32>
    %max3A_366 = arith.maximumf %max3A_352, %max3A_365 : vector<128x256xf32>
    %get3A_367 = arith.constant 0 : index
    %get3A_368 = arith.constant 0 : index
    %get3A_369 = arith.constant 26 : index
    %get3A_370 = arith.constant 0 : index
    %get3A_371 = vector.load %arg2[%get3A_367, %get3A_368, %get3A_369, %get3A_370] : memref<64x1x32x256xf32, #tpu.memory_space<vmem>>, vector<64x1x1x256xf32>
    %get3A_372 = vector.shape_cast %get3A_371 : vector<64x1x1x256xf32> to vector<64x256xf32>
    %dot_general3A_373 = arith.constant dense<0.000000e+00> : vector<128x256xf32>
    %dot_general3A_374 = tpu.matmul %get3A_1, %get3A_372, %dot_general3A_373 {dimension_numbers = #tpu.dot_dimension_numbers<[1], [0], [0], [1], [0, 0, 1, 1], [], []>, transpose_lhs_hint = false} : vector<128x64xf32>, vector<64x256xf32>, vector<128x256xf32> -> vector<128x256xf32>
    %add3A_375 = vector.broadcast %get3A_4 : vector<128x1xf32> to vector<128x256xf32>
    %add3A_376 = arith.addf %dot_general3A_374, %add3A_375 : vector<128x256xf32>
    %max3A_377 = arith.constant 0.000000e+00 : f32
    %max3A_378 = vector.broadcast %max3A_377 : f32 to vector<128x256xf32>
    %max3A_379 = arith.maximumf %add3A_376, %max3A_378 : vector<128x256xf32>
    %max3A_380 = arith.maximumf %max3A_366, %max3A_379 : vector<128x256xf32>
    %get3A_381 = arith.constant 0 : index
    %get3A_382 = arith.constant 0 : index
    %get3A_383 = arith.constant 27 : index
    %get3A_384 = arith.constant 0 : index
    %get3A_385 = vector.load %arg2[%get3A_381, %get3A_382, %get3A_383, %get3A_384] : memref<64x1x32x256xf32, #tpu.memory_space<vmem>>, vector<64x1x1x256xf32>
    %get3A_386 = vector.shape_cast %get3A_385 : vector<64x1x1x256xf32> to vector<64x256xf32>
    %dot_general3A_387 = arith.constant dense<0.000000e+00> : vector<128x256xf32>
    %dot_general3A_388 = tpu.matmul %get3A_1, %get3A_386, %dot_general3A_387 {dimension_numbers = #tpu.dot_dimension_numbers<[1], [0], [0], [1], [0, 0, 1, 1], [], []>, transpose_lhs_hint = false} : vector<128x64xf32>, vector<64x256xf32>, vector<128x256xf32> -> vector<128x256xf32>
    %add3A_389 = vector.broadcast %get3A_4 : vector<128x1xf32> to vector<128x256xf32>
    %add3A_390 = arith.addf %dot_general3A_388, %add3A_389 : vector<128x256xf32>
    %max3A_391 = arith.constant 0.000000e+00 : f32
    %max3A_392 = vector.broadcast %max3A_391 : f32 to vector<128x256xf32>
    %max3A_393 = arith.maximumf %add3A_390, %max3A_392 : vector<128x256xf32>
    %max3A_394 = arith.maximumf %max3A_380, %max3A_393 : vector<128x256xf32>
    %get3A_395 = arith.constant 0 : index
    %get3A_396 = arith.constant 0 : index
    %get3A_397 = arith.constant 28 : index
    %get3A_398 = arith.constant 0 : index
    %get3A_399 = vector.load %arg2[%get3A_395, %get3A_396, %get3A_397, %get3A_398] : memref<64x1x32x256xf32, #tpu.memory_space<vmem>>, vector<64x1x1x256xf32>
    %get3A_400 = vector.shape_cast %get3A_399 : vector<64x1x1x256xf32> to vector<64x256xf32>
    %dot_general3A_401 = arith.constant dense<0.000000e+00> : vector<128x256xf32>
    %dot_general3A_402 = tpu.matmul %get3A_1, %get3A_400, %dot_general3A_401 {dimension_numbers = #tpu.dot_dimension_numbers<[1], [0], [0], [1], [0, 0, 1, 1], [], []>, transpose_lhs_hint = false} : vector<128x64xf32>, vector<64x256xf32>, vector<128x256xf32> -> vector<128x256xf32>
    %add3A_403 = vector.broadcast %get3A_4 : vector<128x1xf32> to vector<128x256xf32>
    %add3A_404 = arith.addf %dot_general3A_402, %add3A_403 : vector<128x256xf32>
    %max3A_405 = arith.constant 0.000000e+00 : f32
    %max3A_406 = vector.broadcast %max3A_405 : f32 to vector<128x256xf32>
    %max3A_407 = arith.maximumf %add3A_404, %max3A_406 : vector<128x256xf32>
    %max3A_408 = arith.maximumf %max3A_394, %max3A_407 : vector<128x256xf32>
    %get3A_409 = arith.constant 0 : index
    %get3A_410 = arith.constant 0 : index
    %get3A_411 = arith.constant 29 : index
    %get3A_412 = arith.constant 0 : index
    %get3A_413 = vector.load %arg2[%get3A_409, %get3A_410, %get3A_411, %get3A_412] : memref<64x1x32x256xf32, #tpu.memory_space<vmem>>, vector<64x1x1x256xf32>
    %get3A_414 = vector.shape_cast %get3A_413 : vector<64x1x1x256xf32> to vector<64x256xf32>
    %dot_general3A_415 = arith.constant dense<0.000000e+00> : vector<128x256xf32>
    %dot_general3A_416 = tpu.matmul %get3A_1, %get3A_414, %dot_general3A_415 {dimension_numbers = #tpu.dot_dimension_numbers<[1], [0], [0], [1], [0, 0, 1, 1], [], []>, transpose_lhs_hint = false} : vector<128x64xf32>, vector<64x256xf32>, vector<128x256xf32> -> vector<128x256xf32>
    %add3A_417 = vector.broadcast %get3A_4 : vector<128x1xf32> to vector<128x256xf32>
    %add3A_418 = arith.addf %dot_general3A_416, %add3A_417 : vector<128x256xf32>
    %max3A_419 = arith.constant 0.000000e+00 : f32
    %max3A_420 = vector.broadcast %max3A_419 : f32 to vector<128x256xf32>
    %max3A_421 = arith.maximumf %add3A_418, %max3A_420 : vector<128x256xf32>
    %max3A_422 = arith.maximumf %max3A_408, %max3A_421 : vector<128x256xf32>
    %get3A_423 = arith.constant 0 : index
    %get3A_424 = arith.constant 0 : index
    %get3A_425 = arith.constant 30 : index
    %get3A_426 = arith.constant 0 : index
    %get3A_427 = vector.load %arg2[%get3A_423, %get3A_424, %get3A_425, %get3A_426] : memref<64x1x32x256xf32, #tpu.memory_space<vmem>>, vector<64x1x1x256xf32>
    %get3A_428 = vector.shape_cast %get3A_427 : vector<64x1x1x256xf32> to vector<64x256xf32>
    %dot_general3A_429 = arith.constant dense<0.000000e+00> : vector<128x256xf32>
    %dot_general3A_430 = tpu.matmul %get3A_1, %get3A_428, %dot_general3A_429 {dimension_numbers = #tpu.dot_dimension_numbers<[1], [0], [0], [1], [0, 0, 1, 1], [], []>, transpose_lhs_hint = false} : vector<128x64xf32>, vector<64x256xf32>, vector<128x256xf32> -> vector<128x256xf32>
    %add3A_431 = vector.broadcast %get3A_4 : vector<128x1xf32> to vector<128x256xf32>
    %add3A_432 = arith.addf %dot_general3A_430, %add3A_431 : vector<128x256xf32>
    %max3A_433 = arith.constant 0.000000e+00 : f32
    %max3A_434 = vector.broadcast %max3A_433 : f32 to vector<128x256xf32>
    %max3A_435 = arith.maximumf %add3A_432, %max3A_434 : vector<128x256xf32>
    %max3A_436 = arith.maximumf %max3A_422, %max3A_435 : vector<128x256xf32>
    %get3A_437 = arith.constant 0 : index
    %get3A_438 = arith.constant 0 : index
    %get3A_439 = arith.constant 31 : index
    %get3A_440 = arith.constant 0 : index
    %get3A_441 = vector.load %arg2[%get3A_437, %get3A_438, %get3A_439, %get3A_440] : memref<64x1x32x256xf32, #tpu.memory_space<vmem>>, vector<64x1x1x256xf32>
    %get3A_442 = vector.shape_cast %get3A_441 : vector<64x1x1x256xf32> to vector<64x256xf32>
    %dot_general3A_443 = arith.constant dense<0.000000e+00> : vector<128x256xf32>
    %dot_general3A_444 = tpu.matmul %get3A_1, %get3A_442, %dot_general3A_443 {dimension_numbers = #tpu.dot_dimension_numbers<[1], [0], [0], [1], [0, 0, 1, 1], [], []>, transpose_lhs_hint = false} : vector<128x64xf32>, vector<64x256xf32>, vector<128x256xf32> -> vector<128x256xf32>
    %add3A_445 = vector.broadcast %get3A_4 : vector<128x1xf32> to vector<128x256xf32>
    %add3A_446 = arith.addf %dot_general3A_444, %add3A_445 : vector<128x256xf32>
    %max3A_447 = arith.constant 0.000000e+00 : f32
    %max3A_448 = vector.broadcast %max3A_447 : f32 to vector<128x256xf32>
    %max3A_449 = arith.maximumf %add3A_446, %max3A_448 : vector<128x256xf32>
    %max3A_450 = arith.maximumf %max3A_436, %max3A_449 : vector<128x256xf32>
    %swap3A = arith.constant 0 : index
    %swap3A_451 = arith.constant 0 : index
    %swap3A_452 = arith.constant 0 : index
    %swap3A_453 = vector.load %arg5[%swap3A, %swap3A_451, %swap3A_452] : memref<1x128x256xf32, #tpu.memory_space<vmem>>, vector<1x128x256xf32>
    %swap3A_454 = vector.shape_cast %swap3A_453 : vector<1x128x256xf32> to vector<128x256xf32>
    %swap3A_455 = vector.shape_cast %max3A_450 : vector<128x256xf32> to vector<1x128x256xf32>
    tpu.vector_store %arg5[%swap3A, %swap3A_451, %swap3A_452], %swap3A_455 {strides = array<i32>} : memref<1x128x256xf32, #tpu.memory_space<vmem>>, vector<1x128x256xf32>,
    return
  }
  func.func @transform_0(%arg0: i32, %arg1: i32) -> (i32, i32, i32, i32) {
    %c0_i32 = arith.constant 0 : i32
    %c0_i32_0 = arith.constant 0 : i32
    %c0_i32_1 = arith.constant 0 : i32
    return %c0_i32, %arg0, %c0_i32_0, %arg1 : i32, i32, i32, i32
  }
  func.func @transform_1(%arg0: i32, %arg1: i32) -> (i32, i32) {
    %c0_i32 = arith.constant 0 : i32
    %c0_i32_0 = arith.constant 0 : i32
    %c0_i32_1 = arith.constant 0 : i32
    return %c0_i32, %c0_i32_0 : i32, i32
  }
  func.func @transform_2(%arg0: i32, %arg1: i32) -> (i32, i32) {
    %c0_i32 = arith.constant 0 : i32
    %c0_i32_0 = arith.constant 0 : i32
    %c0_i32_1 = arith.constant 0 : i32
    return %c0_i32, %c0_i32_0 : i32, i32
  }
  func.func @transform_3(%arg0: i32, %arg1: i32) -> (i32, i32, i32) {
    %c0_i32 = arith.constant 0 : i32
    %c0_i32_0 = arith.constant 0 : i32
    return %arg0, %c0_i32, %arg1 : i32, i32, i32
  }
}

</mosaic_0001>

<sc_bundles>
// kernel: kernel.9.cloned.1.call-start
scs
__scs_entry_jumppad:
0x0: {  	(pc) =	sbr.rel $0x88, $3  }
0x1: {  	(tag) =	ssettag $0x0;
	lr =	simm.s32 $0x1  }
0x2: {  	[smem:$0x3F94] =	sst lr;
	_ =	strace $0xD0000000  }
0x3: {  	_ = 	snop  }
0x4: {  	_ = 	snop  }
0x5: {  	_ = 	snop  }
0x6: {  	_ = 	snop  }
0x7: {  	_ = 	snop  }
__scs_overlays_trampoline_lowered:
0x8: {  	[smem:$0x3FA3] =	sst s0  }
0x9: {  	[smem:$0x3FA4] =	sst s1  }
0xa: {  	[smem:$0x3FA5] =	sst s2  }
0xb: {  	[smem:$0x3FA6] =	sst s3  }
0xc: {  	[smem:$0x3FA7] =	sst s4  }
0xd: {  	[smem:$0x3FA8] =	sst s5  }
0xe: {  	[smem:$0x3FA9] =	sst s6  }
0xf: {  	[smem:$0x3FAA] =	sst s7  }
0x10: {  	[smem:$0x3FAB] =	sst s8  }
0x11: {  	[smem:$0x3FAC] =	sst s9;
	s0 =	simm.s32 @!p0 $0x0  }
0x12: {  	s1 =	sld [smem:$0x3F92];
	s0 =	simm.s32 @p0 $0x1  }
0x13: {  	[smem:$0x3FAD] =	sst s0;
	s0 =	simm.s32 @!p1 $0x0  }
0x14: {  	s2 =	sld [smem:$0x3F91];
	s0 =	simm.s32 @p1 $0x1  }
0x15: {  	[smem:$0x3FAE] =	sst s0;
	s0 =	simm.s32 @!p2 $0x0  }
0x16: {  	s3 =	sld [smem:$0x3FDB];
	s0 =	simm.s32 @p2 $0x1  }
0x17: {  	s4 =	simm.s32 $0x1BF5;
	[smem:$0x3FB0] =	sst s0  }
0x18: {  	s0 =	sld [smem:$0x3F93];
	_ =	swait.ge [sflag:s4], $0x0  }
0x19: {  	s7 =	sld [smem:$0x3F94]  }
0x1a: {  	s8 =	sadd.s32 $0xFFFFE003, lr  }
0x1b: {  	s9 =	sadd.s32 $0xFFFFFEF7, lr;
	s5 =	simm.s32 $0xFFFFFFFF;
	p2 =	slt.u32 s8, $0xFFFFF086  }
0x1c: {  	p1 =	slt.u32 s9, $0xF7A;
	s5 =	simm.s32 @!p2 $0x0  }
0x1d: {  	s5 =	simm.s32 @p1 $0x1;
	p0 =	seq.s32 s7, s2  }
0x1e: {  	s7 =	smul.u32 @!p0 $0xF7A, s2;
	p2 =	seq.s32 @!p0 s5, $0x0  }
0x1f: {  	s9 =	smul.u32 $0xF7A, s1;
	s8 =	simm.s32 @!p0 $0x1BF5;
	p2 =	por !p2, p0  }
0x20: {  	[sflag:s8] =	ssyncset.s32 @!p0 $0xFFFFF086;
	s6 =	sadd.s32 @!p0 s3, s7;
	s7 =	simm.s32 @!p0 $0x108  }
0x21: {  	s3 =	sadd.s32 s3, s9;
	s6 =	sadd.s32 @!p0 $0x88, s6;
	s7 =	simm.s32 @p2 $0x1082  }
0x22: {  	[simem:s7], [sflag:s8] =	dma.local @!p0 [hbm:s6], $0xF7A  }
0x23: {  	s9 =	sor.u32 $0xD0000000, s2;
	s6 =	simm.s32 $0x108;
	_ =	swait.ge @!p0 [sflag:s8], $0x0  }
0x24: {  	s3 =	sadd.s32 $0x88, s3;
	s6 =	simm.s32 @!p1 $0x1082;
	[sflag:s4] =	ssyncset.s32 $0xFFFFF086  }
0x25: {  	[simem:s6], [sflag:s4] =	dma.local [hbm:s3], $0xF7A  }
0x26: {  	[smem:$0x3F94] =	sst s1;
	(tag) =	ssettag s2;
	_ =	strace s9  }
0x27: {  	s1 =	sld [smem:$0x3FA4]  }
0x28: {  	s2 =	sld [smem:$0x3FA5]  }
0x29: {  	s4 =	sld [smem:$0x3FA7]  }
0x2a: {  	p0 =	seq.s32 s5, $0x0;
	s5 =	sld [smem:$0x3FA8]  }
0x2b: {  	s6 =	sld [smem:$0x3FA9]  }
0x2c: {  	s7 =	sld [smem:$0x3FAA]  }
0x2d: {  	s3 =	simm.s32 $0x108;
	s8 =	sld [smem:$0x3FAB]  }
0x2e: {  	s3 =	simm.s32 @!p0 $0x1082;
	s9 =	sld [smem:$0x3FAC]  }
0x2f: {  	lr =	sadd.s32 s0, s3;
	s0 =	sld [smem:$0x3FA3]  }
0x30: {  	s3 =	sld [smem:$0x3FA6]  }
0x31: {  	[smem:$0x3FAF] =	sst s10  }
0x32: {  	s10 =	sld [smem:$0x3FAD];
	_ =	sdelay $0x3  }
0x33: {  	p0 =	seq.s32 s10, $0x1;
	s10 =	sld [smem:$0x3FAF];
	_ =	sdelay $0x3  }
0x34: {  	[smem:$0x3FAF] =	sst s10  }
0x35: {  	s10 =	sld [smem:$0x3FAE];
	_ =	sdelay $0x3  }
0x36: {  	p1 =	seq.s32 s10, $0x1;
	s10 =	sld [smem:$0x3FAF];
	_ =	sdelay $0x3  }
0x37: {  	[smem:$0x3FAF] =	sst s10  }
0x38: {  	s10 =	sld [smem:$0x3FB0]  }
0x39: {  	_ = 	snop;
	(pc) =	sbr.ind lr, $3  }
0x3a: {  	_ = 	snop  }
0x3b: {  	_ = 	snop  }
0x3c: {  	p2 =	seq.s32 s10, $0x1;
	s10 =	sld [smem:$0x3FAF]  }
0x3d: {  	_ =	shalt  }
0x3e: {  	_ =	shalt  }
0x3f: {  	_ =	shalt  }
0x40: {  	_ =	shalt  }
0x41: {  	_ =	shalt  }
0x42: {  	_ =	shalt  }
0x43: {  	_ =	shalt  }
0x44: {  	_ =	shalt  }
0x45: {  	_ =	shalt  }
0x46: {  	_ =	shalt  }
0x47: {  	_ =	shalt  }
0x48: {  	_ =	shalt  }
0x49: {  	_ =	shalt  }
0x4a: {  	_ =	shalt  }
0x4b: {  	_ =	shalt  }
0x4c: {  	_ =	shalt  }
0x4d: {  	_ =	shalt  }
0x4e: {  	_ =	shalt  }
0x4f: {  	_ =	shalt  }
0x50: {  	_ =	shalt  }
0x51: {  	_ =	shalt  }
0x52: {  	_ =	shalt  }
0x53: {  	_ =	shalt  }
0x54: {  	_ =	shalt  }
0x55: {  	_ =	shalt  }
0x56: {  	_ =	shalt  }
0x57: {  	_ =	shalt  }
0x58: {  	_ =	shalt  }
0x59: {  	_ =	shalt  }
0x5a: {  	_ =	shalt  }
0x5b: {  	_ =	shalt  }
0x5c: {  	_ =	shalt  }
0x5d: {  	_ =	shalt  }
0x5e: {  	_ =	shalt  }
0x5f: {  	_ =	shalt  }
0x60: {  	_ =	shalt  }
0x61: {  	_ =	shalt  }
0x62: {  	_ =	shalt  }
0x63: {  	_ =	shalt  }
0x64: {  	_ =	shalt  }
0x65: {  	_ =	shalt  }
0x66: {  	_ =	shalt  }
0x67: {  	_ =	shalt  }
0x68: {  	_ =	shalt  }
0x69: {  	_ =	shalt  }
0x6a: {  	_ =	shalt  }
0x6b: {  	_ =	shalt  }
0x6c: {  	_ =	shalt  }
0x6d: {  	_ =	shalt  }
0x6e: {  	_ =	shalt  }
0x6f: {  	_ =	shalt  }
0x70: {  	_ =	shalt  }
0x71: {  	_ =	shalt  }
0x72: {  	_ =	shalt  }
0x73: {  	_ =	shalt  }
0x74: {  	_ =	shalt  }
0x75: {  	_ =	shalt  }
0x76: {  	_ =	shalt  }
0x77: {  	_ =	shalt  }
0x78: {  	_ =	shalt  }
0x79: {  	_ =	shalt  }
0x7a: {  	_ =	shalt  }
0x7b: {  	_ =	shalt  }
0x7c: {  	_ =	shalt  }
0x7d: {  	_ =	shalt  }
0x7e: {  	_ =	shalt  }
0x7f: {  	_ =	shalt  }
0x80: {  	_ =	shalt  }
0x81: {  	_ =	shalt  }
0x82: {  	_ =	shalt  }
0x83: {  	_ =	shalt  }
0x84: {  	_ =	shalt  }
0x85: {  	_ =	shalt  }
0x86: {  	_ =	shalt  }
0x87: {  	_ =	shalt  }
.Lfunc_end0:
.L_simem_size_0:
called_computation.1_lowered:
.L_overlay_start_0:
0x88: {  	s2 =	sld [smem:$0x3FD9]  }
0x89: {  	s3 =	sld [smem:$0x3FFE];
	_ =	sdelay $0x1  }
0x8a: {  	s1 =	srdreg.scid  }
0x8b: {  	s0 =	sand.u32 $0x1, s1  }
0x8c: {  	s14 =	sshll.u32 s0, $0xA;
	s2 =	sadd.s32 s3, s2  }
0x8d: {  	s2 =	sadd.s32 s2, s14  }
0x8e: {  	[smem:$0x3FBB] =	sst s2  }
0x8f: {  	_ = 	snop  }
0x90: {  	s2 =	sld [smem:$0x3FD0];
	_ =	sdelay $0x2  }
0x91: {  	s4 =	simm.s32 $0xA;
	s5 =	simm.s32 $0x10;
	s15 =	sld [smem:$0x3FC9]  }
0x92: {  	[smem:s5], [sflag:s4] =	dma.local [hbm:s2], $0x1  }
0x93: {  	_ =	swait.eq [sflag:s4], $0x1  }
0x94: {  	[sflag:s4] =	ssyncset.done $0x0  }
0x95: {  	s16 =	sld [smem:$0x10];
	[sflag:s4] =	ssyncadd.s32 $0xFFFFFFFF  }
0x96: {  	s17 =	sld [smem:$0x11];
	(tm) =	ssettm $0x1  }
0x97: {  	s18 =	sld [smem:$0x3FFB];
	_ =	sdelay $0x3  }
0x98: {  	_ =	strace s18  }
0x99: {  	s5 =	sld [smem:$0x3FFC];
	_ =	sdelay $0x3  }
0x9a: {  	_ =	strace s5  }
0x9b: {  	s5 =	sld [smem:$0x3FFD];
	_ =	sdelay $0x3  }
0x9c: {  	_ =	strace s5  }
0x9d: {  	_ =	strace $0x8FFFFFFF  }
0x9e: {  	s19 =	sld [smem:$0x3FDB];
	_ =	sdelay $0x1  }
0x9f: {  	s6 =	simm.s32 $_scs_section_size  }
0xa0: {  	s7 =	simm.s32 $_size__tile_overlayer_lowered;
	s8 =	simm.s32 $_tile_overlayer_lowered  }
0xa1: {  	s22 =	simm.s32 $0x1BFF;
	s21 =	sshll.u32 s8, $0x1;
	s5 =	sadd.s32 s6, s19  }
0xa2: {  	s9 =	simm.s32 $0x0;
	s20 =	sshll.u32 s7, $0x1;
	s7 =	sadd.s32 s21, s5  }
0xa3: {  	[timem:s9], [sflag:s22] =	dma.local [hbm:s7], s20  }
0xa4: {  	_ =	swait.ge [sflag:s22], s20  }
0xa5: {  	s6 =	ssub.s32 $0x0, s20;
	[sflag:s22] =	ssyncset.done $0x0  }
0xa6: {  	[sflag:s22] =	ssyncadd.s32 s6;
	_ =	sdelay $0x1  }
0xa7: {  	s23 =	simm.s32 $0x1B8B  }
0xa8: {  	_ =	swait.ge [sflag:s23], $0x1  }
0xa9: {  	[sflag:s23] =	ssyncset.done $0x0  }
0xaa: {  	s25 =	simm.s32 $0x1B8E;
	s24 =	sld [smem:$0x3FFE];
	[sflag:s23] =	ssyncadd.s32 $0xFFFFFFFF  }
0xab: {  	s26 =	simm.s32 $execute0_lowered;
	[smem:$0x3FD2] =	sst s25  }
0xac: {  	s7 =	sshll.u32 s26, $0x1;
	_ =	strace $0x80000046;
	[dreg:$0x1] =	wrdreg $0xFFFFFFFF  }
0xad: {  	s28 =	simm.s32 $_size_execute0_lowered;
	s5 =	sadd.s32 s5, s7;
	[dreg:$0x0] =	wrdreg $0x0  }
0xae: {  	s7 =	sshll.u32 s28, $0x1;
	[dreg:$0x2] =	wrdreg s5  }
0xaf: {  	[dreg:$0x3] =	wrdreg s7  }
0xb0: {  	[dreg:$0x4] =	wrdreg $0xC0  }
0xb1: {  	_ =	task [dreg:s9], $0x5FFFF  }
0xb2: {  	[dreg:$0x1] =	wrdreg $0xFFFFFFFF  }
0xb3: {  	[dreg:$0x0] =	wrdreg $0x60  }
0xb4: {  	[dreg:$0x2] =	wrdreg s15  }
0xb5: {  	[dreg:$0x3] =	wrdreg s16  }
0xb6: {  	[dreg:$0x4] =	wrdreg s24  }
0xb7: {  	[dreg:$0x5] =	wrdreg s17  }
0xb8: {  	[dreg:$0x6] =	wrdreg $0x9  }
0xb9: {  	_ =	task.clear_ibuf [dreg:s9], $0x7FFFF;
	_ =	strace $0x90000046  }
0xba: {  	s29 =	simm.s32 $0x9;
	_ =	strace $0x80000048  }
0xbb: {  	_ =	swait.ge [sflag:s29], $0x1  }
0xbc: {  	[sflag:s29] =	ssyncadd.s32 $0xFFFFFFFF  }
0xbd: {  	_ =	strace $0x90000048  }
0xbe: {  	_ =	sfence  }
0xbf: {  	s30 =	sld [smem:$0x0];
	_ =	sdelay $0x2  }
0xc0: {  	s31 =	sshll.u32 s1, $0xD;
	s1 =	sshrl.u32 s1, $0x2  }
0xc1: {  	s3 =	sand.u32 $0x4000, s31;
	s1 =	sadd.s32 s1, s30  }
0xc2: {  	s0 =	sor.u32 s3, s0;
	s1 =	sshll.u32 s1, $0x11  }
0xc3: {  	s0 =	sor.u32 s1, s0  }
0xc4: {  	s0 =	sadd.s32 $0x8F2B, s0  }
0xc5: {  	[sflag:s0] =	ssyncadd.remote.s32 $0x1  }
0xc6: {  	_ =	sfence.sel $0xFFFF  }
0xc7: {  	[dreg:$0x0] =	wrdreg $0xFFFFFFFF;
	(pc) =	sbr.abs _section_cstart, $3  }
0xc8: {  	[dreg:$0x1] =	wrdreg $0xFFFFFFFF  }
0xc9: {  	_ =	task.clear_ibuf [dreg:s9], $0x2FFFF;
	_ =	strace $0x9FFFFFFF  }
0xca: {  	(tm) =	ssettm $0x7FFFFFFF  }
0xcb: {  	_ =	shalt  }
tec
execute0_lowered:
.L_overlay_start_1:
0x0: {  	(tag) =	ssettag $0x1  }
0x1: {  	s0 =	rddreg [dreg:$0x0]  }
0x2: {  	s4 =	rddreg [dreg:$0x1]  }
0x3: {  	s5 =	stileid.u32;
	s3 =	rddreg [dreg:$0x2]  }
0x4: {  	s1 =	srdreg.scid;
	s9 =	rddreg [dreg:$0x3]  }
0x5: {  	s14 =	simm.s32 $0x80;
	s15 =	simm.s32 $0x400;
	s16 =	simm.s32 $0x1  }
0x6: {  	s18 =	simm.s32 $0x1000;
	s20 =	simm.s32 $0x2000;
	s22 =	simm.s32 $0x800  }
0x7: {  	s23 =	simm.s32 $0x3300;
	s24 =	simm.s32 $0x5300;
	s25 =	simm.s32 $0x7300  }
0x8: {  	s28 =	simm.s32 $0x0;
	s2 =	sshll.u32 s5, $0x1;
	s5 =	sshrl.u32 s5, $0x1  }
0x9: {  	s1 =	sand.u32 $0x1, s1;
	s2 =	sand.u32 $0x2, s2;
	s7 =	sshll.u32 s5, $0xF  }
0xa: {  	s26 =	sshll.u32 s5, $0x7;
	s5 =	sshll.u32 s5, $0x4;
	s2 =	sor.u32 s1, s2  }
0xb: {  	s1 =	ssub.s32 $0x2, s1;
	s6 =	sshll.u32 s2, $0xB;
	s2 =	simm.s32 $0x0  }
0xc: {  	s30 =	sshrl.u32 s1, $0x1;
	s7 =	sor.u32 s7, s6;
	[smem:$0x7FF] =	sst s2  }
0xd: {  	s29 =	sor.u32 s26, s6;
	s31 =	ssub.s32 s1, s30;
	s26 =	simm.s32 $0x9300  }
0xe: {  	s10 =	sshrl.u32 s7, $0x3;
	_ =	strace $0x80000047;
	s6 =	sshrl.u32 s29, $0x3  }
0xf: {  	s13 =	smax.u32 s31, $0x1;
	s11 =	sadd.s32 s10, s3;
	s3 =	sadd.s32 s0, s5  }
0x10: {  	s4 =	sadd.s32 s4, s6;
	s9 =	sadd.s32 s9, s10;
	s5 =	sadd.s32 $0x1000, s3  }
0x11: {  	s6 =	sadd.s32 $0x400, s4;
	s7 =	sadd.s32 $0x2000, s3;
	s8 =	sadd.s32 $0x800, s4  }
0x12: {  	s10 =	sadd.s32 $0xC00, s11;
	s11 =	sadd.s32 $0x8000, s9;
	s12 =	sadd.s32 $0x10000, s9  }
.LBB2_1:
0x13: {  	[tilespmem:s2], [sflag:$0x1] =	stream.strided.gather [hbm4b:s3+s14], $0x1000, s15, s14, $0x38;
	[tilespmem:$0xB300] =	vst v63  }
0x14: {  	_ =	swait.ge [sflag:s16], $0x1000  }
0x15: {  	[sflag:s16] =	ssyncset.done $0x0  }
0x16: {  	s0 =	simm.s32 $0x3000;
	[sflag:s16] =	ssyncadd.s32 $0xFFFFF000  }
0x17: {  	[tilespmem:s0], [sflag:$0x1] =	stream.strided.gather [hbm4b:s4+s14], $0x100, s15, s14, $0x38;
	[tilespmem:$0xB300] =	vst v63  }
0x18: {  	_ =	swait.ge [sflag:s16], $0x100  }
0x19: {  	[sflag:s16] =	ssyncset.done $0x0  }
0x1a: {  	[sflag:s16] =	ssyncadd.s32 $0xFFFFFF00  }
0x1b: {  	[tilespmem:s18], [sflag:$0x1] =	stream.strided.gather [hbm4b:s5+s14], $0x1000, s15, s14, $0x38;
	[tilespmem:$0xB300] =	vst v63  }
0x1c: {  	_ =	swait.ge [sflag:s16], $0x1000  }
0x1d: {  	[sflag:s16] =	ssyncset.done $0x0  }
0x1e: {  	s1 =	simm.s32 $0x3100;
	[sflag:s16] =	ssyncadd.s32 $0xFFFFF000  }
0x1f: {  	[tilespmem:s1], [sflag:$0x1] =	stream.strided.gather [hbm4b:s6+s14], $0x100, s15, s14, $0x38;
	[tilespmem:$0xB300] =	vst v63  }
0x20: {  	_ =	swait.ge [sflag:s16], $0x100  }
0x21: {  	[sflag:s16] =	ssyncset.done $0x0  }
0x22: {  	[sflag:s16] =	ssyncadd.s32 $0xFFFFFF00  }
0x23: {  	[tilespmem:s20], [sflag:$0x1] =	stream.strided.gather [hbm4b:s7+s14], $0x1000, s15, s14, $0x38;
	[tilespmem:$0xB300] =	vst v63  }
0x24: {  	_ =	swait.ge [sflag:s16], $0x1000  }
0x25: {  	[sflag:s16] =	ssyncset.done $0x0  }
0x26: {  	s17 =	simm.s32 $0x3200;
	s19 =	simm.s32 $0x0;
	[sflag:s16] =	ssyncadd.s32 $0xFFFFF000  }
0x27: {  	[tilespmem:s17], [sflag:$0x1] =	stream.strided.gather [hbm4b:s8+s14], $0x100, s15, s14, $0x38;
	[tilespmem:$0xB300] =	vst v63  }
0x28: {  	s0 =	sand.u32 $0x1, s19;
	_ =	swait.ge [sflag:s16], $0x100  }
0x29: {  	s19 =	sshll.u32 s0, $0xA;
	s1 =	simm.s32 $0x0;
	[sflag:s16] =	ssyncset.done $0x0  }
0x2a: {  	s1 =	sand.u32 $0x1800, s1;
	s17 =	simm.s32 $0x0;
	[sflag:s16] =	ssyncadd.s32 $0xFFFFFF00  }
0x2b: {  	[tilespmem:s23], [sflag:$0x1] =	stream.strided.gather [hbm4b:s10+s22], $0x2000, s20, s22, $0x38;
	[tilespmem:$0xB300] =	vst v63  }
0x2c: {  	s1 =	sor.u32 s19, s1;
	s17 =	sand.u32 $0x380, s17;
	_ =	swait.ge [sflag:s16], $0x2000  }
0x2d: {  	s21 =	sand.u32 $0x70, s2;
	s1 =	sor.u32 s17, s1;
	[sflag:s16] =	ssyncset.done $0x0  }
0x2e: {  	s29 =	sor.u32 s21, s1;
	[sflag:s16] =	ssyncadd.s32 $0xFFFFE000  }
0x2f: {  	v0 =	vld [tilespmem:s29+$0x3300];
	_ =	sdelay $0x4  }
0x30: {  	s0 =	sshll.u32 s0, $0x7  }
0x31: {  	s31 =	sor.u32 s21, s0  }
0x32: {  	v2 =	vld [tilespmem:s31+$0x3000]  }
0x33: {  	v1 =	vld.idx.msk [tilespmem:v0+s2+$0x0], $0xffff;
	_ =	sdelay $0x4  }
0x34: {  	v1 =	vsub.f32 v1, v2;
	_ =	sdelay $0x1  }
0x35: {  	[tilespmem:s29+$0x5300] =	vst v1  }
0x36: {  	v1 =	vld.idx.msk [tilespmem:v0+s18+$0x0], $0xffff  }
0x37: {  	v2 =	vld [tilespmem:s31+$0x3100]  }
0x38: {  	s30 =	simm.s32 $0x10;
	s19 =	simm.s32 $0x0  }
0x39: {  	s0 =	sand.u32 $0x1, s19;
	s17 =	simm.s32 $0x8;
	s21 =	simm.s32 $0x10  }
0x3a: {  	s1 =	simm.s32 $0x2;
	s19 =	sand.u32 $0x1800, s21;
	s21 =	sshll.u32 s0, $0xA  }
.LBB2_2:
0x3b: {  	p0 =	sne.s32 s1, $0x1FF;
	s19 =	sor.u32 s21, s19;
	s17 =	sand.u32 $0x380, s17  }
0x3c: {  	s21 =	sand.u32 $0x70, s30;
	s17 =	sor.u32 s17, s19;
	v1 =	vsub.f32 v1, v2  }
0x3d: {  	s17 =	sor.u32 s21, s17  }
0x3e: {  	v2 =	vld [tilespmem:s17+$0x3300];
	[tilespmem:s29+$0x7300] =	vst v1  }
0x3f: {  	v1 =	vld.idx.msk [tilespmem:v0+s20+$0x0], $0xffff  }
0x40: {  	v3 =	vld [tilespmem:s31+$0x3200];
	_ =	sdelay $0x2  }
0x41: {  	v0 =	vmov v2;
	_ =	sdelay $0x1  }
0x42: {  	v1 =	vsub.f32 v1, v3;
	_ =	sdelay $0x1  }
0x43: {  	s0 =	sshll.u32 s0, $0x7;
	[tilespmem:s29+$0x9300] =	vst v1;
	s29 =	smov.u32 s17  }
0x44: {  	s31 =	sor.u32 s21, s0;
	v1 =	vld.idx.msk [tilespmem:v2+s2+$0x0], $0xffff  }
0x45: {  	v2 =	vld [tilespmem:s31+$0x3000];
	_ =	sdelay $0x4  }
0x46: {  	v1 =	vsub.f32 v1, v2;
	_ =	sdelay $0x1  }
0x47: {  	[tilespmem:s29+$0x5300] =	vst v1  }
.Ltmp0:
0x48: {  	v1 =	vld.idx.msk [tilespmem:v0+s18+$0x0], $0xffff;
	(pc) =	sbr.rel @p0 .LBB2_2-.Ltmp0, $4  }
0x49: {  	v2 =	vld [tilespmem:s31+$0x3100]  }
0x4a: {  	s30 =	sadd.s32 $0x10, s30;
	s0 =	sshrl.u32 s1, $0x3  }
0x4b: {  	s19 =	sshll.u32 s1, $0x4;
	s0 =	sand.u32 $0x1, s0;
	s17 =	sshll.u32 s1, $0x3  }
0x4c: {  	s19 =	sand.u32 $0x1800, s19;
	s21 =	sshll.u32 s0, $0xA;
	s1 =	sadd.s32 $0x1, s1  }
0x4d: {  	s1 =	sor.u32 s21, s19;
	s17 =	sand.u32 $0x380, s17  }
0x4e: {  	s30 =	sand.u32 $0x70, s30;
	s1 =	sor.u32 s17, s1;
	v1 =	vsub.f32 v1, v2  }
0x4f: {  	s1 =	sor.u32 s30, s1  }
0x50: {  	v60 =	vld [tilespmem:s1+$0x3300];
	[tilespmem:s29+$0x7300] =	vst v1  }
0x51: {  	v0 =	vld.idx.msk [tilespmem:v0+s20+$0x0], $0xffff  }
0x52: {  	v1 =	vld [tilespmem:s31+$0x3200];
	_ =	sdelay $0x4  }
0x53: {  	v0 =	vsub.f32 v0, v1;
	_ =	sdelay $0x1  }
0x54: {  	s0 =	sshll.u32 s0, $0x7;
	[tilespmem:s29+$0x9300] =	vst v0  }
0x55: {  	s0 =	sor.u32 s30, s0;
	v0 =	vld.idx.msk [tilespmem:v60+s2+$0x0], $0xffff  }
0x56: {  	v61 =	vld [tilespmem:s0+$0x3000];
	_ =	sdelay $0x4  }
0x57: {  	v0 =	vsub.f32 v0, v61;
	_ =	sdelay $0x1  }
0x58: {  	[tilespmem:s1+$0x5300] =	vst v0  }
0x59: {  	v0 =	vld.idx.msk [tilespmem:v60+s18+$0x0], $0xffff  }
0x5a: {  	v62 =	vld [tilespmem:s0+$0x3100];
	_ =	sdelay $0x4  }
0x5b: {  	v0 =	vsub.f32 v0, v62;
	_ =	sdelay $0x1  }
0x5c: {  	[tilespmem:s1+$0x7300] =	vst v0  }
0x5d: {  	v0 =	vld.idx.msk [tilespmem:v60+s20+$0x0], $0xffff  }
0x5e: {  	v63 =	vld [tilespmem:s0+$0x3200];
	_ =	sdelay $0x4  }
0x5f: {  	v0 =	vsub.f32 v0, v63;
	_ =	sdelay $0x1  }
0x60: {  	[tilespmem:s1+$0x9300] =	vst v0  }
0x61: {  	[hbm4b:s9+s22] =	stream.strided.scatter [tilespmem:s24], [sflag:$0x1], $0x2000, s20, s22, $0x38;
	[tilespmem:$0xB300] =	vst v63  }
0x62: {  	_ =	swait.ge [sflag:s16], $0x2000  }
0x63: {  	[sflag:s16] =	ssyncset.done $0x0  }
0x64: {  	[sflag:s16] =	ssyncadd.s32 $0xFFFFE000  }
0x65: {  	[hbm4b:s11+s22] =	stream.strided.scatter [tilespmem:s25], [sflag:$0x1], $0x2000, s20, s22, $0x38;
	[tilespmem:$0xB300] =	vst v63  }
0x66: {  	s28 =	sadd.s32 $0x1, s28;
	_ =	swait.ge [sflag:s16], $0x2000  }
0x67: {  	p0 =	sne.s32 s28, s13;
	[sflag:s16] =	ssyncset.done $0x0  }
.Ltmp1:
0x68: {  	[sflag:s16] =	ssyncadd.s32 $0xFFFFE000;
	(pc) =	sbr.rel @p0 .LBB2_1-.Ltmp1, $4  }
0x69: {  	[hbm4b:s12+s22] =	stream.strided.scatter [tilespmem:s26], [sflag:$0x1], $0x2000, s20, s22, $0x38;
	[tilespmem:$0xB300] =	vst v63  }
0x6a: {  	_ =	swait.ge [sflag:s16], $0x2000  }
0x6b: {  	[sflag:s16] =	ssyncset.done $0x0  }
0x6c: {  	[sflag:s16] =	ssyncadd.s32 $0xFFFFE000  }
0x6d: {  	_ =	sfence.sel $0x180000  }
0x6e: {  	[bflag:$0x0] =	sbarrier.arrive $0xFFFF  }
0x6f: {  	_ =	strace $0x90000047  }
0x70: {  	s0 =	stileid.u32;
	[bflag:$0x2] =	sbarrier.arrive $0xFFFF  }
0x71: {  	p0 =	sne.s32 s0, $0x0;
	s0 =	rddreg [dreg:$0x4]  }
0x72: {  	s0 =	sadd.s32 @!p0 $0x100000, s0  }
0x73: {  	[sflag:s0] =	ssyncadd.tile.s32 @!p0 $0x1;
	_ =	shalt  }
.Lfunc_end2:
_tile_overlayer_lowered:
.L_overlay_start_2:
0x74: {  	(tag) =	ssettag $0x2  }
0x75: {  	s0 =	rddreg [dreg:$0x0];
	s2 =	stileid.u32  }
0x76: {  	s1 =	rddreg [dreg:$0x1];
	p0 =	sne.s32 s2, $0x0  }
0x77: {  	s3 =	rddreg [dreg:$0x2];
	[bflag:$0x3] =	sbarrier.arrive $0xFFFF;
	s2 =	simm.s32 @!p0 $0x1C01  }
0x78: {  	[timem:s3], [sflag:s2] =	dma.local @!p0 [hbm:s0], s1  }
0x79: {  	s0 =	simm.s32 @!p0 $0x1  }
0x7a: {  	_ =	swait.ge @!p0 [sflag:s0], s1  }
0x7b: {  	s1 =	ssub.s32 @!p0 $0x0, s1;
	[sflag:s0] =	ssyncset.done @!p0 $0x0  }
0x7c: {  	[sflag:s0] =	ssyncadd.s32 @!p0 s1  }
0x7d: {  	[bflag:$0x3] =	sbarrier.arrive $0xFFFF  }
0x7e: {  	_ =	shalt  }

// kernel: sparse-core-data-format-call.cloned.1.call-start
scs
called_computation_lowered:
.L_overlay_start_0:
0x0: {  	s1 =	sld [smem:$0x3FD9]  }
0x1: {  	s2 =	sld [smem:$0x3FFE];
	_ =	sdelay $0x1  }
0x2: {  	s3 =	srdreg.scid  }
0x3: {  	s0 =	sand.u32 $0x1, s3  }
0x4: {  	s17 =	sshll.u32 s0, $0xA;
	s1 =	sadd.s32 s2, s1  }
0x5: {  	s1 =	sadd.s32 s1, s17  }
0x6: {  	[smem:$0x3FBB] =	sst s1  }
0x7: {  	_ = 	snop  }
0x8: {  	(tm) =	ssettm $0x1  }
0x9: {  	s18 =	sld [smem:$0x3FFB];
	_ =	sdelay $0x3  }
0xa: {  	_ =	strace s18  }
0xb: {  	s1 =	sld [smem:$0x3FFC];
	_ =	sdelay $0x3  }
0xc: {  	_ =	strace s1  }
0xd: {  	s1 =	sld [smem:$0x3FFD];
	_ =	sdelay $0x3  }
0xe: {  	_ =	strace s1  }
0xf: {  	_ =	strace $0x8FFFFFFF  }
0x10: {  	s19 =	sld [smem:$0x3FDB];
	_ =	sdelay $0x1  }
0x11: {  	s20 =	simm.s32 $_scs_section_size  }
0x12: {  	s4 =	simm.s32 $_size__tile_overlayer_lowered;
	s5 =	simm.s32 $_tile_overlayer_lowered  }
0x13: {  	s23 =	simm.s32 $0x1BFF;
	s22 =	sshll.u32 s5, $0x1;
	s1 =	sadd.s32 s20, s19  }
0x14: {  	s6 =	simm.s32 $0x0;
	s21 =	sshll.u32 s4, $0x1;
	s4 =	sadd.s32 s22, s1  }
0x15: {  	[timem:s6], [sflag:s23] =	dma.local [hbm:s4], s21  }
0x16: {  	_ =	swait.ge [sflag:s23], s21  }
0x17: {  	s2 =	ssub.s32 $0x0, s21;
	[sflag:s23] =	ssyncset.done $0x0  }
0x18: {  	[sflag:s23] =	ssyncadd.s32 s2;
	_ =	sdelay $0x1  }
0x19: {  	s24 =	simm.s32 $0x1B8B  }
0x1a: {  	_ =	swait.ge [sflag:s24], $0x1  }
0x1b: {  	[sflag:s24] =	ssyncset.done $0x0  }
0x1c: {  	s26 =	simm.s32 $0x1B8E;
	s25 =	sld [smem:$0x3FFE];
	[sflag:s24] =	ssyncadd.s32 $0xFFFFFFFF  }
0x1d: {  	s27 =	simm.s32 $execute0_lowered;
	[smem:$0x3FD2] =	sst s26  }
0x1e: {  	s4 =	sshll.u32 s27, $0x1;
	_ =	strace $0x80000049;
	[dreg:$0x1] =	wrdreg $0xFFFFFFFF  }
0x1f: {  	s28 =	simm.s32 $_size_execute0_lowered;
	s1 =	sadd.s32 s1, s4;
	[dreg:$0x0] =	wrdreg $0x0  }
0x20: {  	s4 =	sshll.u32 s28, $0x1;
	[dreg:$0x2] =	wrdreg s1  }
0x21: {  	[dreg:$0x3] =	wrdreg s4  }
0x22: {  	[dreg:$0x4] =	wrdreg $0xC0  }
0x23: {  	_ =	task [dreg:s6], $0x5FFFF  }
0x24: {  	[dreg:$0x1] =	wrdreg $0xFFFFFFFF  }
0x25: {  	[dreg:$0x0] =	wrdreg $0x60  }
0x26: {  	[dreg:$0x2] =	wrdreg s25  }
0x27: {  	[dreg:$0x3] =	wrdreg $0x9  }
0x28: {  	_ =	task.clear_ibuf [dreg:s6], $0x4FFFF;
	_ =	strace $0x90000049  }
0x29: {  	s29 =	simm.s32 $0x9;
	_ =	strace $0x8000004B  }
0x2a: {  	_ =	swait.ge [sflag:s29], $0x1  }
0x2b: {  	[sflag:s29] =	ssyncadd.s32 $0xFFFFFFFF  }
0x2c: {  	_ =	strace $0x9000004B  }
0x2d: {  	_ =	sfence  }
0x2e: {  	s30 =	sld [smem:$0x0];
	_ =	sdelay $0x2  }
0x2f: {  	s31 =	sshll.u32 s3, $0xD;
	s3 =	sshrl.u32 s3, $0x2  }
0x30: {  	s2 =	sand.u32 $0x4000, s31;
	s1 =	sadd.s32 s3, s30  }
0x31: {  	s0 =	sor.u32 s2, s0;
	s1 =	sshll.u32 s1, $0x11  }
0x32: {  	s0 =	sor.u32 s1, s0  }
0x33: {  	s0 =	sadd.s32 $0x8F2B, s0  }
0x34: {  	[sflag:s0] =	ssyncadd.remote.s32 $0x1  }
0x35: {  	_ =	sfence.sel $0xFFFF  }
0x36: {  	[dreg:$0x0] =	wrdreg $0xFFFFFFFF;
	(pc) =	sbr.abs _section_cstart, $3  }
0x37: {  	[dreg:$0x1] =	wrdreg $0xFFFFFFFF  }
0x38: {  	_ =	task.clear_ibuf [dreg:s6], $0x2FFFF;
	_ =	strace $0x9FFFFFFF  }
0x39: {  	(tm) =	ssettm $0x7FFFFFFF  }
tec
execute0_lowered:
.L_overlay_start_1:
0x0: {  	(tag) =	ssettag $0x1  }
0x1: {  	s0 =	srdreg.scid  }
0x2: {  	s7 =	stileid.u32;
	s29 =	rddreg [dreg:$0x0]  }
0x3: {  	_ =	strace $0x8000004A;
	s6 =	simm.s32 $0x1;
	s5 =	simm.s32 $0x1  }
0x4: {  	s31 =	simm.s32 $0x2;
	s16 =	simm.s32 $0x0;
	s0 =	sshll.u32 s0, $0x4  }
0x5: {  	s9 =	simm.s32 $0x40000;
	s10 =	simm.s32 $0x0;
	s0 =	sor.u32 s7, s0  }
0x6: {  	s17 =	simm.s32 $0x0;
	s19 =	simm.s32 $0x0;
	s2 =	sand.u32 $0x18, s0  }
0x7: {  	s18 =	simm.s32 $0x0;
	s11 =	simm.s32 $0x0;
	s1 =	ssub.s32 $0x100, s2  }
0x8: {  	s12 =	simm.s32 $0x0;
	s15 =	simm.s32 $0x0;
	s3 =	sand.u32 $0x18, s1  }
.Ltmp0:
0x9: {  	s25 =	simm.s32 $0x0;
	p0 =	sne.s32 s3, $0x0;
	(pc) =	sbr.rel .LBB1_1-.Ltmp0, $4  }
0xa: {  	s4 =	sadd.s32 $0xC00, s29;
	s1 =	sshrl.u32 s1, $0x5;
	s6 =	simm.s32 @!p0 $0x0  }
0xb: {  	[sflag:s5] =	ssyncpa.u1 $0x0;
	s7 =	sand.u32 $0x7, s7;
	s30 =	sadd.s32 s6, s1  }
0xc: {  	[sflag:s31] =	ssyncpa.u1 $0x0;
	s14 =	smov.u32 s7;
	s6 =	sshll.u32 s30, $0x2  }
0xd: {  	s13 =	smov.u32 s2;
	s3 =	sadd.s32 $0x200C00, s29;
	s8 =	sor.u32 $0x1, s6  }
.LBB1_7:
0xe: {  	s0 =	sadd.s32 $0x100, s11  }
0xf: {  	s1 =	sadd.s32 $0x8, s12;
	s20 =	smov.u32 s12;
	p1 =	sgt.s32 s0, $0x3FF  }
0x10: {  	s20 =	smov.u32 @p1 s1  }
0x11: {  	s21 =	smov.u32 s13;
	s1 =	sadd.s32 $0x20, s13;
	p2 =	sgt.s32 s20, $0x7  }
0x12: {  	s21 =	smov.u32 @p2 s1  }
0x13: {  	s22 =	smov.u32 s14;
	s1 =	sadd.s32 $0x8, s14;
	p3 =	sgt.s32 s21, $0xFF  }
0x14: {  	p0 =	slt.u32 s15, $0x2;
	s22 =	smov.u32 @p3 s1  }
0x15: {  	s16 =	smov.u32 s11;
	s0 =	simm.s32 @p1 $0x0;
	p1 =	sgt.s32 s22, $0x7  }
0x16: {  	s17 =	smov.u32 s12;
	s22 =	smov.u32 @p1 s7;
	p1 =	sne.s32 s15, s8  }
.Ltmp1:
0x17: {  	s19 =	smov.u32 s13;
	s18 =	smov.u32 s14;
	(pc) =	sbr.rel @!p1 .LBB1_8-.Ltmp1, $4  }
0x18: {  	s10 =	sadd.s32 $0x4000, s10;
	s11 =	smov.u32 s0;
	s1 =	simm.s32 @!p0 $0x2  }
0x19: {  	s20 =	simm.s32 @p2 $0x0;
	s21 =	smov.u32 @p3 s2;
	_ =	swait.ge @!p0 [sflag:s1], $0x4000  }
0x1a: {  	s12 =	smov.u32 s20;
	s13 =	smov.u32 s21;
	[sflag:s1] =	ssyncset.done @!p0 $0x0  }
0x1b: {  	s15 =	sadd.s32 $0x1, s15;
	[sflag:s1] =	ssyncadd.s32 @!p0 $0xFFFFC000;
	s14 =	smov.u32 s22  }
.LBB1_1:
0x1c: {  	p0 =	sge.u32 s15, s6  }
0x1d: {  	s31 =	sadd.s32 $0xFFFFFFFF, s15;
	s0 =	sxor.u32 @!p0 $0xFFFFFFFF, s15  }
0x1e: {  	s1 =	sshll.u32 @!p0 s12, $0x7;
	s20 =	sand.u32 @!p0 $0x78, s11;
	s21 =	sshll.u32 @!p0 s14, $0x12  }
0x1f: {  	s22 =	sand.u32 @!p0 $0x380, s11;
	s0 =	sshll.u32 @!p0 s0, $0xE;
	s1 =	sand.u32 @!p0 $0x380, s1  }
0x20: {  	s21 =	sadd.s32 @!p0 s3, s21;
	s1 =	sor.u32 @!p0 s20, s1;
	s20 =	sshll.u32 @!p0 s13, $0xA  }
0x21: {  	s0 =	sand.u32 @!p0 $0x4000, s0;
	s20 =	sadd.s32 @!p0 s20, s21;
	s21 =	sand.u32 @!p0 $0x7, s11  }
0x22: {  	s1 =	sshrl.u32 @!p0 s1, $0x3;
	s20 =	sadd.s32 @!p0 s22, s20;
	s21 =	sshll.u32 @!p0 s21, $0x12  }
0x23: {  	s1 =	sadd.s32 @!p0 s1, s20;
	s20 =	sor.u32 @!p0 $0x800, s21;
	s21 =	simm.s32 @!p0 $0x2000  }
0x24: {  	[tilespmem:s0], [sflag:$0x1] =	stream.strided.gather @!p0 [hbm4b:s1+s20], $0x4000, s21, s20, $0x38;
	[tilespmem:$0x10000] =	vst v63  }
0x25: {  	p0 =	sge.u32 s31, s6  }
.Ltmp2:
0x26: {  	_ = 	snop;
	(pc) =	sbr.rel @p0 .LBB1_7-.Ltmp2, $1  }
0x27: {  	_ =	sdelay $0x3  }
0x28: {  	s0 =	sshll.u32 s10, $0x2;
	_ =	swait.ge [sflag:s5], $0x4000;
	s1 =	sshll.u32 s15, $0xE  }
0x29: {  	p0 =	por $0x0, $0x0;
	s26 =	simm.s32 $0x0;
	s27 =	simm.s32 $0x0  }
0x2a: {  	s0 =	sand.u32 $0x10000, s0;
	[sflag:s5] =	ssyncset.done $0x0;
	s23 =	sand.u32 $0x4000, s1  }
0x2b: {  	s0 =	sshrl.u32 s0, $0x2;
	[sflag:s5] =	ssyncadd.s32 $0xFFFFC000;
	s20 =	sor.u32 $0x8000, s23  }
0x2c: {  	s21 =	sor.u32 $0x40, s0;
	s22 =	sor.u32 $0x8410, s0;
	s24 =	sadd.s32 $0x8400, s0  }
.LBB1_3:
0x2d: {  	v1 =	vld [tilespmem:s21+$0xFFFFFFD0]  }
0x2e: {  	v2 =	vld [tilespmem:s21+$0x430]  }
0x2f: {  	s0 =	sshll.u32 s27, $0xB;
	v4 =	vld [tilespmem:s21+$0xFFFFFFE0]  }
0x30: {  	v7 =	vld [tilespmem:s21+$0xFFFFFFF0];
	v0 =	vmov s0  }
0x31: {  	v8 =	vld [tilespmem:s21+$0x0]  }
0x32: {  	v9 =	vld [tilespmem:s21+$0x10];
	s0 =	sand.u32 $0x300, s25  }
0x33: {  	s1 =	sand.u32 $0x80, s25;
	v10 =	vld [tilespmem:s21+$0x20];
	s0 =	sadd.s32 s0, s23  }
0x34: {  	v11 =	vld [tilespmem:s21+$0x30];
	s0 =	sadd.s32 s1, s0;
	s1 =	simm.s32 $0x1;
	[tilespmem:s22+$0x60] =	vst v2  }
0x35: {  	s1 =	simm.s32 @!p0 $0x0;
	[tilespmem:s22+$0xFFFFFC00] =	vst v1;
	v3 =	vld.idx.msk [tilespmem:v0+s0+$0x400 ss:$0x1], $0xffff;
	s0 =	sshll.u32 s26, $0x2  }
0x36: {  	v6 =	vld [tilespmem:s21+$0x3D0];
	s1 =	sshll.u32 s1, $0x9;
	[tilespmem:s22+$0xFFFFFC10] =	vst v4;
	s0 =	sand.u32 $0xFFFFFC00, s0  }
0x37: {  	v5 =	vld [tilespmem:s21+$0x3E0];
	[tilespmem:s22+$0xFFFFFC20] =	vst v7;
	s0 =	sor.u32 s1, s0  }
0x38: {  	[tilespmem:s22+$0xFFFFFC30] =	vst v8;
	v4 =	vld [tilespmem:s21+$0x400];
	s0 =	sshrl.u32 s0, $0x2  }
0x39: {  	[tilespmem:s22+$0xFFFFFC40] =	vst v9;
	v1 =	vld [tilespmem:s21+$0x410];
	s28 =	sadd.s32 s0, s24  }
0x3a: {  	[tilespmem:s28+$0x0] =	vst v3;
	v3 =	vld [tilespmem:s21+$0x3F0]  }
0x3b: {  	s31 =	simm.s32 $0x100;
	[tilespmem:s22+$0xFFFFFC50] =	vst v10;
	v2 =	vld [tilespmem:s21+$0x420];
	s1 =	simm.s32 $0x80  }
0x3c: {  	s29 =	sadd.s32 $0x80, s21;
	s30 =	smov.u32 s22;
	v7 =	vld [tilespmem:s21+$0xFFFFFFC0];
	[tilespmem:s22+$0xFFFFFC60] =	vst v11;
	s0 =	sand.u32 $0x300, s1  }
.LBB1_4:
0x3d: {  	p1 =	sne.s32 s31, $0x380;
	v8 =	vld [tilespmem:s29+$0xFFFFFFD0];
	s1 =	sand.u32 $0x80, s1;
	s0 =	sadd.s32 s0, s23;
	[tilespmem:s30+$0x0] =	vst v6  }
0x3e: {  	s0 =	sadd.s32 s1, s0;
	v6 =	vld [tilespmem:s29+$0x430];
	[tilespmem:s30+$0x10] =	vst v5;
	s1 =	smov.u32 s31  }
0x3f: {  	v5 =	vld.idx.msk [tilespmem:v0+s0+$0x400 ss:$0x1], $0xffff;
	[tilespmem:s30+$0x20] =	vst v3  }
0x40: {  	v3 =	vld [tilespmem:s29+$0xFFFFFFE0];
	[tilespmem:s30+$0x30] =	vst v4  }
0x41: {  	v4 =	vld [tilespmem:s29+$0xFFFFFFF0];
	[tilespmem:s30+$0xFFFFFBF0] =	vst v7  }
0x42: {  	v7 =	vld [tilespmem:s29+$0x0];
	[tilespmem:s30+$0x40] =	vst v1  }
0x43: {  	v1 =	vld [tilespmem:s29+$0x10];
	[tilespmem:s30+$0x50] =	vst v2;
	s30 =	sadd.s32 $0x800, s30  }
0x44: {  	s28 =	sadd.s32 $0x800, s28;
	v2 =	vld [tilespmem:s29+$0x20];
	[tilespmem:s30+$0x60] =	vst v6  }
0x45: {  	v9 =	vld [tilespmem:s29+$0x30];
	[tilespmem:s28+$0x0] =	vst v5  }
0x46: {  	[tilespmem:s30+$0xFFFFFC00] =	vst v8;
	v6 =	vld [tilespmem:s29+$0x3D0]  }
0x47: {  	[tilespmem:s30+$0xFFFFFC10] =	vst v3;
	v5 =	vld [tilespmem:s29+$0x3E0]  }
.Ltmp3:
0x48: {  	[tilespmem:s30+$0xFFFFFC20] =	vst v4;
	v3 =	vld [tilespmem:s29+$0x3F0];
	(pc) =	sbr.rel @p1 .LBB1_4-.Ltmp3, $4  }
0x49: {  	[tilespmem:s30+$0xFFFFFC30] =	vst v7;
	v4 =	vld [tilespmem:s29+$0x400]  }
0x4a: {  	[tilespmem:s30+$0xFFFFFC40] =	vst v1;
	v1 =	vld [tilespmem:s29+$0x410]  }
0x4b: {  	[tilespmem:s30+$0xFFFFFC50] =	vst v2;
	v2 =	vld [tilespmem:s29+$0x420]  }
0x4c: {  	s31 =	sadd.s32 $0x80, s31;
	s0 =	sand.u32 $0x300, s1;
	v7 =	vld [tilespmem:s29+$0xFFFFFFC0];
	[tilespmem:s30+$0xFFFFFC60] =	vst v9;
	s29 =	sadd.s32 $0x80, s29  }
0x4d: {  	[tilespmem:s30+$0x0] =	vst v6  }
0x4e: {  	[tilespmem:s30+$0x10] =	vst v5  }
0x4f: {  	v49 =	vld [tilespmem:s29+$0x430];
	[tilespmem:s30+$0x20] =	vst v3  }
0x50: {  	v50 =	vld [tilespmem:s29+$0xFFFFFFD0];
	[tilespmem:s30+$0x30] =	vst v4  }
0x51: {  	v51 =	vld [tilespmem:s29+$0xFFFFFFE0];
	[tilespmem:s30+$0x40] =	vst v1  }
0x52: {  	v52 =	vld [tilespmem:s29+$0xFFFFFFF0];
	[tilespmem:s30+$0x50] =	vst v2  }
0x53: {  	v53 =	vld [tilespmem:s29+$0x0];
	[tilespmem:s30+$0xFFFFFBF0] =	vst v7;
	s30 =	sadd.s32 $0x800, s30  }
0x54: {  	v54 =	vld [tilespmem:s29+$0x10];
	[tilespmem:s30+$0x60] =	vst v49  }
0x55: {  	v55 =	vld [tilespmem:s29+$0x20];
	[tilespmem:s30+$0xFFFFFC00] =	vst v50  }
0x56: {  	v56 =	vld [tilespmem:s29+$0x30];
	[tilespmem:s30+$0xFFFFFC10] =	vst v51  }
0x57: {  	v57 =	vld [tilespmem:s29+$0x3D0];
	[tilespmem:s30+$0xFFFFFC20] =	vst v52  }
0x58: {  	v58 =	vld [tilespmem:s29+$0x3E0];
	[tilespmem:s30+$0xFFFFFC30] =	vst v53  }
0x59: {  	v59 =	vld [tilespmem:s29+$0x3F0];
	[tilespmem:s30+$0xFFFFFC40] =	vst v54  }
0x5a: {  	v60 =	vld [tilespmem:s29+$0x400];
	[tilespmem:s30+$0xFFFFFC50] =	vst v55  }
0x5b: {  	v61 =	vld [tilespmem:s29+$0xFFFFFFC0];
	[tilespmem:s30+$0xFFFFFC60] =	vst v56  }
0x5c: {  	s1 =	sand.u32 $0x80, s1;
	s0 =	sadd.s32 s0, s23;
	v62 =	vld [tilespmem:s29+$0x410];
	[tilespmem:s30+$0x0] =	vst v57  }
0x5d: {  	v63 =	vld [tilespmem:s29+$0x420];
	s27 =	sadd.s32 $0x1, s27;
	s0 =	sadd.s32 s1, s0;
	[tilespmem:s30+$0x10] =	vst v58  }
0x5e: {  	p1 =	sne.s32 s27, $0x8;
	v0 =	vld.idx.msk [tilespmem:v0+s0+$0x400 ss:$0x1], $0xffff;
	[tilespmem:s30+$0x20] =	vst v59  }
.Ltmp4:
0x5f: {  	[tilespmem:s30+$0x30] =	vst v60;
	(pc) =	sbr.rel @p1 .LBB1_3-.Ltmp4, $4  }
0x60: {  	[tilespmem:s30+$0xFFFFFBF0] =	vst v61  }
0x61: {  	[tilespmem:s30+$0x40] =	vst v62  }
0x62: {  	s31 =	sadd.s32 $0x800, s28;
	s21 =	sadd.s32 $0x800, s21;
	[tilespmem:s30+$0x50] =	vst v63  }
0x63: {  	s26 =	sadd.s32 $0x80, s26;
	p0 =	por !p0, !p0;
	s22 =	sadd.s32 $0x80, s22;
	[tilespmem:s31+$0x0] =	vst v0  }
0x64: {  	s0 =	sshll.u32 s19, $0x7  }
0x65: {  	s1 =	sand.u32 $0x78, s16;
	s18 =	sshll.u32 s18, $0x12;
	s17 =	sshll.u32 s17, $0xF  }
0x66: {  	s30 =	sand.u32 $0x7, s16;
	s19 =	sand.u32 $0x380, s0;
	s0 =	sand.u32 $0x7C00, s0  }
.Ltmp5:
0x67: {  	s18 =	sadd.s32 s4, s18;
	s1 =	sor.u32 s19, s1;
	(pc) =	sbr.rel .LBB1_7-.Ltmp5, $4  }
0x68: {  	s0 =	sadd.s32 s16, s0;
	s17 =	sadd.s32 s17, s18;
	s1 =	sshrl.u32 s1, $0x3  }
0x69: {  	s16 =	sshll.u32 s30, $0x12;
	s0 =	sand.u32 $0x7F80, s0;
	s1 =	sadd.s32 s1, s17  }
0x6a: {  	s31 =	sor.u32 $0x800, s16;
	s0 =	sadd.s32 s0, s1  }
0x6b: {  	[hbm4b:s0+s31] =	stream.strided.scatter [tilespmem:s20], [sflag:$0x2], $0x4000, s9, s31, $0x38;
	[tilespmem:$0x10000] =	vst v63  }
.LBB1_8:
0x6c: {  	_ =	sfence.sel $0x180000  }
0x6d: {  	s0 =	simm.s32 $0x1;
	[bflag:$0x0] =	sbarrier.arrive $0xFFFF  }
0x6e: {  	s30 =	simm.s32 $0x2;
	[sflag:s0] =	ssyncpa.u1 $0x1  }
0x6f: {  	[sflag:s30] =	ssyncpa.u1 $0x1  }
0x70: {  	_ =	strace $0x9000004A  }
0x71: {  	s31 =	stileid.u32;
	[bflag:$0x2] =	sbarrier.arrive $0xFFFF  }
0x72: {  	p0 =	sne.s32 s31, $0x0;
	s0 =	rddreg [dreg:$0x1]  }
0x73: {  	s0 =	sadd.s32 @!p0 $0x100000, s0  }
0x74: {  	[sflag:s0] =	ssyncadd.tile.s32 @!p0 $0x1;
	_ =	shalt  }
.Lfunc_end1:
_tile_overlayer_lowered:
.L_overlay_start_2:
0x75: {  	(tag) =	ssettag $0x2  }
0x76: {  	s0 =	rddreg [dreg:$0x0];
	s2 =	stileid.u32  }
0x77: {  	s1 =	rddreg [dreg:$0x1];
	p0 =	sne.s32 s2, $0x0  }
0x78: {  	s3 =	rddreg [dreg:$0x2];
	[bflag:$0x3] =	sbarrier.arrive $0xFFFF;
	s2 =	simm.s32 @!p0 $0x1C01  }
0x79: {  	[timem:s3], [sflag:s2] =	dma.local @!p0 [hbm:s0], s1  }
0x7a: {  	s0 =	simm.s32 @!p0 $0x1  }
0x7b: {  	_ =	swait.ge @!p0 [sflag:s0], s1  }
0x7c: {  	s1 =	ssub.s32 @!p0 $0x0, s1;
	[sflag:s0] =	ssyncset.done @!p0 $0x0  }
0x7d: {  	[sflag:s0] =	ssyncadd.s32 @!p0 s1  }
0x7e: {  	[bflag:$0x3] =	sbarrier.arrive $0xFFFF  }
0x7f: {  	_ =	shalt  }

</sc_bundles>
